<compile_context>
chip_gen: v7x
topology: tpu7x:2x2x1
jax: 0.10.2.dev20260603
libtpu: 0.0.44.dev20260713+nightly
codegen_flags: <defaults>
</compile_context>

<pallas_src>
import jax
import jax.numpy as jnp
from jax import lax
from jax.experimental import pallas as pl
from jax.experimental.pallas import tpu as pltpu
from jax.experimental.pallas import tpu_sc as plsc

_B, _C, _H, _W = 8, 2, 512, 512
_N = _B * _H * _W
_KK = _N * 10 // 100
_TOT = _B * _C * _H * _W

_SHIFT = 20
_NB = 1088

_NC, _NS, _L = 2, 16, 16
_NW = _NC * _NS
_PER_TILE = _TOT // _NW
_CHUNK = 16384


def _bce_body(p_ref, t_ref, o_ref):
    p = p_ref[...]
    t = t_ref[...]
    logp = jnp.maximum(jnp.log(p), -100.0)
    log1mp = jnp.maximum(jnp.log(1.0 - p), -100.0)
    loss = -(t * logp + (1.0 - t) * log1mp)
    o_ref[...] = jnp.maximum(loss, 0.0).reshape(o_ref.shape)


def _bce(predict, target):
    blk = (1, _C, _H, _W)
    rows = _C * _H * _W // 128
    return pl.pallas_call(
        _bce_body,
        grid=(_B,),
        in_specs=[
            pl.BlockSpec(blk, lambda i: (i, 0, 0, 0)),
            pl.BlockSpec(blk, lambda i: (i, 0, 0, 0)),
        ],
        out_specs=pl.BlockSpec((rows, 128), lambda i: (i, 0)),
        out_shape=jax.ShapeDtypeStruct((_TOT // 128, 128), jnp.float32),
    )(predict, target)


_NCHUNK = _PER_TILE // _CHUNK


def _hist_body(loss_hbm, cnt_hbm, sum_hbm, cnt_a, sum_a, cnt_b, sum_b,
               buf0, buf1, sem0, sem1):
    wid = lax.axis_index("s") * _NC + lax.axis_index("c")
    base = wid * _PER_TILE
    chan = (wid // 2) % 2
    slot = (wid // 4) * 2 + (wid % 2)

    bufs = (buf0, buf1)
    sems = (sem0, sem1)

    def _src(ci):
        return loss_hbm.at[pl.ds(base + ci * _CHUNK, _CHUNK)]

    pltpu.async_copy(_src(0), buf0, sem0)
    pltpu.async_copy(_src(1), buf1, sem1)

    zeros16 = jnp.zeros((_L,), jnp.float32)

    @plsc.parallel_loop(0, _NB, unroll=8)
    def _zero(i):
        zr = lax.shift_right_logical(i, 3)
        zc = (i & 7) << 4
        cnt_a[zr, pl.ds(zc, _L)] = zeros16
        sum_a[zr, pl.ds(zc, _L)] = zeros16
        cnt_b[zr, pl.ds(zc, _L)] = zeros16
        sum_b[zr, pl.ds(zc, _L)] = zeros16

    ones16 = jnp.ones((_L,), jnp.float32)
    lane = lax.iota(jnp.int32, _L)

    def _pair(pi, carry):
        for b2 in range(2):
            ci = pi * 2 + b2
            pltpu.make_async_copy(_src(ci), bufs[b2], sems[b2]).wait()

            @plsc.parallel_loop(0, _CHUNK // _L // 2, unroll=4)
            def _vec(j, _b2=b2):
                for k, cv, sv in ((0, cnt_a, sum_a), (1, cnt_b, sum_b)):
                    v = bufs[_b2][pl.ds((2 * j + k) * _L, _L)]
                    b = lax.shift_right_logical(plsc.bitcast(v, jnp.int32),
                                                _SHIFT)
                    b = jnp.minimum(b, _NB - 1)
                    row = lax.shift_right_logical(b, 3)
                    col = ((b & 7) << 4) | lane
                    plsc.addupdate_scatter(cv, [row, col], ones16)
                    plsc.addupdate_scatter(sv, [row, col], v)

            @pl.when(ci + 2 < _NCHUNK)
            def _(_b2=b2, _ci=ci):
                pltpu.async_copy(_src(_ci + 2), bufs[_b2], sems[_b2])

        return carry

    lax.fori_loop(0, _NCHUNK // 2, _pair, 0)

    @plsc.parallel_loop(0, _NB, unroll=8)
    def _merge(i):
        zr = lax.shift_right_logical(i, 3)
        zc = (i & 7) << 4
        cnt_a[zr, pl.ds(zc, _L)] += cnt_b[zr, pl.ds(zc, _L)]
        sum_a[zr, pl.ds(zc, _L)] += sum_b[zr, pl.ds(zc, _L)]

    pltpu.sync_copy(cnt_a, cnt_hbm.at[chan, slot])
    pltpu.sync_copy(sum_a, sum_hbm.at[chan, slot])


def _hist(loss_flat):
    mesh = plsc.VectorSubcoreMesh(core_axis_name="c", subcore_axis_name="s")
    shp = jax.ShapeDtypeStruct((_C, _NW // 2, _NR2, _NC2), jnp.float32)
    return pl.kernel(
        _hist_body,
        out_type=(shp, shp),
        mesh=mesh,
        compiler_params=pltpu.CompilerParams(needs_layout_passes=False),
        scratch_types=[
            pltpu.VMEM((_NR2, _NC2), jnp.float32),
            pltpu.VMEM((_NR2, _NC2), jnp.float32),
            pltpu.VMEM((_NR2, _NC2), jnp.float32),
            pltpu.VMEM((_NR2, _NC2), jnp.float32),
            pltpu.VMEM((_CHUNK,), jnp.float32),
            pltpu.VMEM((_CHUNK,), jnp.float32),
            pltpu.SemaphoreType.DMA,
            pltpu.SemaphoreType.DMA,
        ],
    )(loss_flat)


_NR2, _NC2 = _NB * _L // 128, 128


def _prefix_lanes(x):
    s = 1
    while s < x.shape[1]:
        x = x + jnp.concatenate(
            [jnp.zeros((x.shape[0], s), x.dtype), x[:, :-s]], axis=1)
        s *= 2
    return x


def _prefix_rows(x):
    s = 1
    while s < x.shape[0]:
        x = x + jnp.concatenate(
            [jnp.zeros((s, x.shape[1]), x.dtype), x[:-s, :]], axis=0)
        s *= 2
    return x


def _finish_body(cnt_ref, sum_ref, o_ref):
    rr = lax.broadcasted_iota(jnp.int32, (_NR2, _NC2), 0)
    cc = lax.broadcasted_iota(jnp.int32, (_NR2, _NC2), 1)
    bid = rr * 8 + lax.shift_right_logical(cc, 4)
    lastlane = (cc & 15) == 15
    firstlane = (cc & 15) == 0
    edges_lo = lax.bitcast_convert_type(bid << _SHIFT, jnp.float32)
    edges_hi = lax.bitcast_convert_type((bid + 1) << _SHIFT, jnp.float32)
    fkk = jnp.float32(_KK)

    ans = jnp.float32(0.0)
    for c in range(2):
        cnt = jnp.sum(cnt_ref[c], axis=0)
        sm = jnp.sum(sum_ref[c], axis=0)
        p = _prefix_lanes(cnt)
        rs = p[:, _NC2 - 1:_NC2]
        f = p + (_prefix_rows(rs) - rs)
        below_end = jnp.logical_and(f <= jnp.float32(_N - _KK), lastlane)
        bstar = jnp.sum(below_end.astype(jnp.int32))
        m_lt = bid < bstar
        m_eq = bid == bstar
        f_before = jnp.sum(jnp.where(m_lt, cnt, 0.0))
        cb = jnp.sum(jnp.where(m_eq, cnt, 0.0))
        sb = jnp.sum(jnp.where(m_eq, sm, 0.0))
        lo = jnp.sum(jnp.where(jnp.logical_and(m_eq, firstlane), edges_lo, 0.0))
        hi = jnp.sum(jnp.where(jnp.logical_and(m_eq, firstlane), edges_hi, 0.0))
        sum_above = jnp.sum(jnp.where(bid > bstar, sm, 0.0))
        count_above = jnp.float32(_N) - f_before - cb
        c_extra = fkk - count_above
        m = jnp.maximum(cb, 1.0)
        mu = sb / m
        delta = jnp.maximum(jnp.minimum(hi - mu, mu - lo), 0.0)
        t_hat = c_extra * (mu + delta * (1.0 - c_extra / m))
        ans = ans + (sum_above + t_hat) / fkk
    o_ref[0, 0] = ans * 0.5


def _finish(cnt, sm):
    return pl.pallas_call(
        _finish_body,
        out_shape=jax.ShapeDtypeStruct((1, 1), jnp.float32),
        out_specs=pl.BlockSpec(memory_space=pltpu.SMEM),
    )(cnt, sm)


def kernel(predict, target):
    loss = _bce(predict, target)
    cnt, sm = _hist(loss.reshape(-1))
    return _finish(cnt, sm)[0, 0]

# --- scband reference (transcript-rebuilt; emitter-appended) ---
"""Pipeline reference for scband-top-kloss-37795712204935 (READ-ONLY COPY).

The authoritative reference and input builder live on the scoring server;
editing this copy changes nothing except your own understanding.
"""

import jax, jax.numpy as jnp
import numpy as np

K = (10, 10)


def setup_inputs(seed: int = 0) -> dict:
    key = jax.random.key(seed)
    k1, k2 = jax.random.split(key)
    predict = jax.random.uniform(k1, (8, 2, 512, 512), dtype=jnp.float32)
    target = jax.random.uniform(k2, (8, 2, 512, 512), dtype=jnp.float32)
    return {"predict": predict, "target": target}


def _flatten_bce(p, t):
    # PyTorch BCELoss clamps log terms at -100 for numerical stability
    logp = jnp.clip(jnp.log(p), -100.0, None)
    log1mp = jnp.clip(jnp.log(1.0 - p), -100.0, None)
    return -(t * logp + (1.0 - t) * log1mp)


def reference(predict, target):
    batch = predict.shape[0]
    num_channel = predict.shape[1]
    assert len(K) == num_channel
    all_loss = 0.0
    for i in range(num_channel):
        p = predict[:, i].reshape(-1)
        t = target[:, i].reshape(-1)
        loss = _flatten_bce(p, t)
        num_voxels = loss.shape[0]
        kk = int(num_voxels * K[i] / 100)
        topk_vals, _ = jax.lax.top_k(loss, kk)
        all_loss = all_loss + topk_vals.mean()
    all_loss = all_loss / num_channel
    # is_average=True default: no batch rescaling
    return all_loss

if __name__ == "__main__":
    import jax
    _d = setup_inputs()
    print(jax.jit(kernel)(*tuple(_d.values())))

</pallas_src>

<mosaic_0001>
#map = affine_map<(d0, d1) -> (0)>
#map1 = affine_map<(d0, d1) -> (0, 0, 0, 0)>
module attributes {stable_mosaic.version = 14 : i64} {
  func.func @_hist_body(%arg0: i32, %arg1: i32, %arg2: memref<4194304xf32, #tpu.memory_space<hbm>>, %arg3: memref<2x16x136x128xf32, #tpu.memory_space<hbm>>, %arg4: memref<2x16x136x128xf32, #tpu.memory_space<hbm>>, %arg5: memref<136x128xf32, #tpu.memory_space<vmem>>, %arg6: memref<136x128xf32, #tpu.memory_space<vmem>>, %arg7: memref<136x128xf32, #tpu.memory_space<vmem>>, %arg8: memref<136x128xf32, #tpu.memory_space<vmem>>, %arg9: memref<16384xf32, #tpu.memory_space<vmem>>, %arg10: memref<16384xf32, #tpu.memory_space<vmem>>, %arg11: memref<!tpu.dma_semaphore, #tpu.memory_space<semaphore_mem>>, %arg12: memref<!tpu.dma_semaphore, #tpu.memory_space<semaphore_mem>>) attributes {dimension_semantics = [#tpu.dimension_semantics<core_parallel>, #tpu.dimension_semantics<subcore_parallel>], iteration_bounds = array<i64: 2, 16>, scalar_prefetch = 0 : i64, scratch_operands = 8 : i64, tpu.core_type = #tpu.core_type<sc_vector_subcore>, window_params = [{transform_indices = #map}, {transform_indices = #map1}, {transform_indices = #map1}]} {
    %mul3A = arith.constant 2 : i32
    %mul3A_0 = arith.muli %arg1, %mul3A : i32
    %add3A = arith.addi %mul3A_0, %arg0 : i32
    %mul3A_1 = arith.constant 131072 : i32
    %mul3A_2 = arith.muli %add3A, %mul3A_1 : i32
    %jit3A = arith.constant 2 : i32
    %div3A = arith.divsi %add3A, %jit3A : i32
    %sign3A = arith.constant 0 : i32
    %sign3A_3 = arith.cmpi sgt, %add3A, %sign3A : i32
    %sign3A_4 = arith.extui %sign3A_3 : i1 to i32
    %sign3A_5 = arith.constant 0 : i32
    %sign3A_6 = arith.cmpi slt, %add3A, %sign3A_5 : i32
    %sign3A_7 = arith.extui %sign3A_6 : i1 to i32
    %sign3A_8 = arith.subi %sign3A_4, %sign3A_7 : i32
    %sign3A_9 = arith.constant 0 : i32
    %sign3A_10 = arith.cmpi sgt, %jit3A, %sign3A_9 : i32
    %sign3A_11 = arith.extui %sign3A_10 : i1 to i32
    %sign3A_12 = arith.constant 0 : i32
    %sign3A_13 = arith.cmpi slt, %jit3A, %sign3A_12 : i32
    %sign3A_14 = arith.extui %sign3A_13 : i1 to i32
    %sign3A_15 = arith.subi %sign3A_11, %sign3A_14 : i32
    %ne3A = arith.cmpi ne, %sign3A_8, %sign3A_15 : i32
    %rem3A = arith.remsi %add3A, %jit3A : i32
    %ne3A_16 = arith.constant 0 : i32
    %ne3A_17 = arith.cmpi ne, %rem3A, %ne3A_16 : i32
    %and3A = arith.andi %ne3A, %ne3A_17 : i1
    %sub3A = arith.constant 1 : i32
    %sub3A_18 = arith.subi %div3A, %sub3A : i32
    %select_n3A = arith.select %and3A, %sub3A_18, %div3A : i32
    %jit3A_19 = arith.constant 2 : i32
    %eq3A = arith.constant 0 : i32
    %eq3A_20 = arith.cmpi eq, %jit3A_19, %eq3A : i32
    %jit3A_21 = arith.constant 1 : i32
    %select_n3A_22 = arith.select %eq3A_20, %jit3A_21, %jit3A_19 : i32
    %rem3A_23 = arith.remsi %select_n3A, %select_n3A_22 : i32
    %ne3A_24 = arith.constant 0 : i32
    %ne3A_25 = arith.cmpi ne, %rem3A_23, %ne3A_24 : i32
    %lt3A = arith.constant 0 : i32
    %lt3A_26 = arith.cmpi slt, %rem3A_23, %lt3A : i32
    %lt3A_27 = arith.constant 0 : i32
    %lt3A_28 = arith.cmpi slt, %select_n3A_22, %lt3A_27 : i32
    %ne3A_29 = arith.xori %lt3A_26, %lt3A_28 : i1
    %and3A_30 = arith.andi %ne3A_29, %ne3A_25 : i1
    %add3A_31 = arith.addi %rem3A_23, %select_n3A_22 : i32
    %select_n3A_32 = arith.select %and3A_30, %add3A_31, %rem3A_23 : i32
    %jit3A_33 = arith.constant 4 : i32
    %div3A_34 = arith.divsi %add3A, %jit3A_33 : i32
    %sign3A_35 = arith.constant 0 : i32
    %sign3A_36 = arith.cmpi sgt, %add3A, %sign3A_35 : i32
    %sign3A_37 = arith.extui %sign3A_36 : i1 to i32
    %sign3A_38 = arith.constant 0 : i32
    %sign3A_39 = arith.cmpi slt, %add3A, %sign3A_38 : i32
    %sign3A_40 = arith.extui %sign3A_39 : i1 to i32
    %sign3A_41 = arith.subi %sign3A_37, %sign3A_40 : i32
    %sign3A_42 = arith.constant 0 : i32
    %sign3A_43 = arith.cmpi sgt, %jit3A_33, %sign3A_42 : i32
    %sign3A_44 = arith.extui %sign3A_43 : i1 to i32
    %sign3A_45 = arith.constant 0 : i32
    %sign3A_46 = arith.cmpi slt, %jit3A_33, %sign3A_45 : i32
    %sign3A_47 = arith.extui %sign3A_46 : i1 to i32
    %sign3A_48 = arith.subi %sign3A_44, %sign3A_47 : i32
    %ne3A_49 = arith.cmpi ne, %sign3A_41, %sign3A_48 : i32
    %rem3A_50 = arith.remsi %add3A, %jit3A_33 : i32
    %ne3A_51 = arith.constant 0 : i32
    %ne3A_52 = arith.cmpi ne, %rem3A_50, %ne3A_51 : i32
    %and3A_53 = arith.andi %ne3A_49, %ne3A_52 : i1
    %sub3A_54 = arith.constant 1 : i32
    %sub3A_55 = arith.subi %div3A_34, %sub3A_54 : i32
    %select_n3A_56 = arith.select %and3A_53, %sub3A_55, %div3A_34 : i32
    %mul3A_57 = arith.constant 2 : i32
    %mul3A_58 = arith.muli %select_n3A_56, %mul3A_57 : i32
    %jit3A_59 = arith.constant 2 : i32
    %eq3A_60 = arith.constant 0 : i32
    %eq3A_61 = arith.cmpi eq, %jit3A_59, %eq3A_60 : i32
    %jit3A_62 = arith.constant 1 : i32
    %select_n3A_63 = arith.select %eq3A_61, %jit3A_62, %jit3A_59 : i32
    %rem3A_64 = arith.remsi %add3A, %select_n3A_63 : i32
    %ne3A_65 = arith.constant 0 : i32
    %ne3A_66 = arith.cmpi ne, %rem3A_64, %ne3A_65 : i32
    %lt3A_67 = arith.constant 0 : i32
    %lt3A_68 = arith.cmpi slt, %rem3A_64, %lt3A_67 : i32
    %lt3A_69 = arith.constant 0 : i32
    %lt3A_70 = arith.cmpi slt, %select_n3A_63, %lt3A_69 : i32
    %ne3A_71 = arith.xori %lt3A_68, %lt3A_70 : i1
    %and3A_72 = arith.andi %ne3A_71, %ne3A_66 : i1
    %add3A_73 = arith.addi %rem3A_64, %select_n3A_63 : i32
    %select_n3A_74 = arith.select %and3A_72, %add3A_73, %rem3A_64 : i32
    %add3A_75 = arith.addi %mul3A_58, %select_n3A_74 : i32
    %add3A_76 = arith.constant 0 : i32
    %add3A_77 = arith.addi %mul3A_2, %add3A_76 : i32
    %dma_start3A = tpu.memref_slice %arg2[%add3A_77] : memref<4194304xf32, #tpu.memory_space<hbm>> -> memref<16384xf32, #tpu.memory_space<hbm>>
    %dma_start3A_78 = tpu.memref_slice %arg2[%add3A_77] : memref<4194304xf32, #tpu.memory_space<hbm>> -> memref<16384xf32, #tpu.memory_space<hbm>>
    tpu.enqueue_dma source(%dma_start3A_78 : memref<16384xf32, #tpu.memory_space<hbm>>) target(%arg9 : memref<16384xf32, #tpu.memory_space<vmem>>) target_semaphore(%arg11 : memref<!tpu.dma_semaphore, #tpu.memory_space<semaphore_mem>>)
    %add3A_79 = arith.constant 16384 : i32
    %add3A_80 = arith.addi %mul3A_2, %add3A_79 : i32
    %dma_start3A_81 = tpu.memref_slice %arg2[%add3A_80] : memref<4194304xf32, #tpu.memory_space<hbm>> -> memref<16384xf32, #tpu.memory_space<hbm>>
    %dma_start3A_82 = tpu.memref_slice %arg2[%add3A_80] : memref<4194304xf32, #tpu.memory_space<hbm>> -> memref<16384xf32, #tpu.memory_space<hbm>>
    tpu.enqueue_dma source(%dma_start3A_82 : memref<16384xf32, #tpu.memory_space<hbm>>) target(%arg10 : memref<16384xf32, #tpu.memory_space<vmem>>) target_semaphore(%arg12 : memref<!tpu.dma_semaphore, #tpu.memory_space<semaphore_mem>>)
    %broadcast_in_dim3A = arith.constant 0.000000e+00 : f32
    %broadcast_in_dim3A_83 = vector.broadcast %broadcast_in_dim3A : f32 to vector<16xf32>
    %parallel_loop3A = arith.constant 0 : i32
    %parallel_loop3A_84 = arith.constant 1088 : i32
    %parallel_loop3A_85 = arith.constant 1 : i32
    scf.for %parallel_loop3A_96 = %parallel_loop3A to %parallel_loop3A_84 step %parallel_loop3A_85  : i32 {
      %parallel_loop3A_97 = arith.constant 3 : i32
      %parallel_loop3A_98 = arith.shrui %parallel_loop3A_96, %parallel_loop3A_97 : i32
      %parallel_loop3A_99 = arith.constant 7 : i32
      %parallel_loop3A_100 = arith.andi %parallel_loop3A_96, %parallel_loop3A_99 : i32
      %parallel_loop3A_101 = arith.constant 4 : i32
      %parallel_loop3A_102 = arith.shli %parallel_loop3A_100, %parallel_loop3A_101 : i32
      %parallel_loop3A_103 = arith.index_cast %parallel_loop3A_98 : i32 to index
      %parallel_loop3A_104 = arith.index_cast %parallel_loop3A_102 : i32 to index
      %parallel_loop3A_105 = tpu.vector_load %arg5[%parallel_loop3A_103, %parallel_loop3A_104] {strides = array<i32>} : memref<136x128xf32, #tpu.memory_space<vmem>>, vector<16xf32>,
      tpu.vector_store %arg5[%parallel_loop3A_103, %parallel_loop3A_104], %broadcast_in_dim3A_83 {strides = array<i32>} : memref<136x128xf32, #tpu.memory_space<vmem>>, vector<16xf32>,
      %parallel_loop3A_106 = arith.index_cast %parallel_loop3A_98 : i32 to index
      %parallel_loop3A_107 = arith.index_cast %parallel_loop3A_102 : i32 to index
      %parallel_loop3A_108 = tpu.vector_load %arg6[%parallel_loop3A_106, %parallel_loop3A_107] {strides = array<i32>} : memref<136x128xf32, #tpu.memory_space<vmem>>, vector<16xf32>,
      tpu.vector_store %arg6[%parallel_loop3A_106, %parallel_loop3A_107], %broadcast_in_dim3A_83 {strides = array<i32>} : memref<136x128xf32, #tpu.memory_space<vmem>>, vector<16xf32>,
      %parallel_loop3A_109 = arith.index_cast %parallel_loop3A_98 : i32 to index
      %parallel_loop3A_110 = arith.index_cast %parallel_loop3A_102 : i32 to index
      %parallel_loop3A_111 = tpu.vector_load %arg7[%parallel_loop3A_109, %parallel_loop3A_110] {strides = array<i32>} : memref<136x128xf32, #tpu.memory_space<vmem>>, vector<16xf32>,
      tpu.vector_store %arg7[%parallel_loop3A_109, %parallel_loop3A_110], %broadcast_in_dim3A_83 {strides = array<i32>} : memref<136x128xf32, #tpu.memory_space<vmem>>, vector<16xf32>,
      %parallel_loop3A_112 = arith.index_cast %parallel_loop3A_98 : i32 to index
      %parallel_loop3A_113 = arith.index_cast %parallel_loop3A_102 : i32 to index
      %parallel_loop3A_114 = tpu.vector_load %arg8[%parallel_loop3A_112, %parallel_loop3A_113] {strides = array<i32>} : memref<136x128xf32, #tpu.memory_space<vmem>>, vector<16xf32>,
      tpu.vector_store %arg8[%parallel_loop3A_112, %parallel_loop3A_113], %broadcast_in_dim3A_83 {strides = array<i32>} : memref<136x128xf32, #tpu.memory_space<vmem>>, vector<16xf32>,
    } {sc.loop_unroll_factor = 8 : i64, sc.parallel_access}
    %broadcast_in_dim3A_86 = arith.constant 1.000000e+00 : f32
    %broadcast_in_dim3A_87 = vector.broadcast %broadcast_in_dim3A_86 : f32 to vector<16xf32>
    %iota3A = tpu.iota {dimensions = array<i32: 0>} : vector<16xi32>
    %scan3A = arith.constant 0 : i32
    %scan3A_88 = arith.constant 0 : i32
    %scan3A_89 = arith.constant 4 : i32
    %scan3A_90 = arith.addi %scan3A_88, %scan3A_89 : i32
    %scan3A_91 = arith.constant 1 : i32
    scf.for %scan3A_96 = %scan3A_88 to %scan3A_90 step %scan3A_91  : i32 {
      %mul3A_97 = arith.constant 2 : i32
      %mul3A_98 = arith.muli %scan3A_96, %mul3A_97 : i32
      %add3A_99 = arith.constant 0 : i32
      %add3A_100 = arith.addi %mul3A_98, %add3A_99 : i32
      %mul3A_101 = arith.constant 16384 : i32
      %mul3A_102 = arith.muli %add3A_100, %mul3A_101 : i32
      %add3A_103 = arith.addi %mul3A_2, %mul3A_102 : i32
      %dma_wait3A = tpu.memref_slice %arg2[%add3A_103] : memref<4194304xf32, #tpu.memory_space<hbm>> -> memref<16384xf32, #tpu.memory_space<hbm>>
      %dma_wait3A_104 = tpu.memref_slice %arg2[%add3A_103] : memref<4194304xf32, #tpu.memory_space<hbm>> -> memref<16384xf32, #tpu.memory_space<hbm>>
      tpu.wait_dma2 semaphore(%arg11 : memref<!tpu.dma_semaphore, #tpu.memory_space<semaphore_mem>>) src(%dma_wait3A_104 : memref<16384xf32, #tpu.memory_space<hbm>>) dst(%arg9 : memref<16384xf32, #tpu.memory_space<vmem>>)
      %parallel_loop3A_105 = arith.constant 0 : i32
      %parallel_loop3A_106 = arith.constant 512 : i32
      %parallel_loop3A_107 = arith.constant 1 : i32
      scf.for %parallel_loop3A_132 = %parallel_loop3A_105 to %parallel_loop3A_106 step %parallel_loop3A_107  : i32 {
        %parallel_loop3A_133 = arith.constant 2 : i32
        %parallel_loop3A_134 = arith.muli %parallel_loop3A_133, %parallel_loop3A_132 : i32
        %parallel_loop3A_135 = arith.constant 0 : i32
        %parallel_loop3A_136 = arith.addi %parallel_loop3A_134, %parallel_loop3A_135 : i32
        %parallel_loop3A_137 = arith.constant 16 : i32
        %parallel_loop3A_138 = arith.muli %parallel_loop3A_136, %parallel_loop3A_137 : i32
        %parallel_loop3A_139 = arith.index_cast %parallel_loop3A_138 : i32 to index
        %parallel_loop3A_140 = tpu.vector_load %arg9[%parallel_loop3A_139] {strides = array<i32>} : memref<16384xf32, #tpu.memory_space<vmem>>, vector<16xf32>,
        %parallel_loop3A_141 = vector.bitcast %parallel_loop3A_140 : vector<16xf32> to vector<16xi32>
        %parallel_loop3A_142 = arith.constant 20 : i32
        %parallel_loop3A_143 = vector.broadcast %parallel_loop3A_142 : i32 to vector<16xi32>
        %parallel_loop3A_144 = arith.shrui %parallel_loop3A_141, %parallel_loop3A_143 : vector<16xi32>
        %parallel_loop3A_145 = arith.constant 1087 : i32
        %parallel_loop3A_146 = vector.broadcast %parallel_loop3A_145 : i32 to vector<16xi32>
        %parallel_loop3A_147 = arith.minsi %parallel_loop3A_144, %parallel_loop3A_146 : vector<16xi32>
        %parallel_loop3A_148 = arith.constant 3 : i32
        %parallel_loop3A_149 = vector.broadcast %parallel_loop3A_148 : i32 to vector<16xi32>
        %parallel_loop3A_150 = arith.shrui %parallel_loop3A_147, %parallel_loop3A_149 : vector<16xi32>
        %parallel_loop3A_151 = arith.constant 7 : i32
        %parallel_loop3A_152 = vector.broadcast %parallel_loop3A_151 : i32 to vector<16xi32>
        %parallel_loop3A_153 = arith.andi %parallel_loop3A_147, %parallel_loop3A_152 : vector<16xi32>
        %parallel_loop3A_154 = arith.constant 4 : i32
        %parallel_loop3A_155 = vector.broadcast %parallel_loop3A_154 : i32 to vector<16xi32>
        %parallel_loop3A_156 = arith.shli %parallel_loop3A_153, %parallel_loop3A_155 : vector<16xi32>
        %parallel_loop3A_157 = arith.ori %parallel_loop3A_156, %iota3A : vector<16xi32>
        tpu.vector_store_idx %arg5[%parallel_loop3A_150, %parallel_loop3A_157], %broadcast_in_dim3A_87 {add = true} : memref<136x128xf32, #tpu.memory_space<vmem>>[vector<16xi32>, vector<16xi32>], vector<16xf32>,
        tpu.vector_store_idx %arg6[%parallel_loop3A_150, %parallel_loop3A_157], %parallel_loop3A_140 {add = true} : memref<136x128xf32, #tpu.memory_space<vmem>>[vector<16xi32>, vector<16xi32>], vector<16xf32>,
        %parallel_loop3A_158 = arith.constant 2 : i32
        %parallel_loop3A_159 = arith.muli %parallel_loop3A_158, %parallel_loop3A_132 : i32
        %parallel_loop3A_160 = arith.constant 1 : i32
        %parallel_loop3A_161 = arith.addi %parallel_loop3A_159, %parallel_loop3A_160 : i32
        %parallel_loop3A_162 = arith.constant 16 : i32
        %parallel_loop3A_163 = arith.muli %parallel_loop3A_161, %parallel_loop3A_162 : i32
        %parallel_loop3A_164 = arith.index_cast %parallel_loop3A_163 : i32 to index
        %parallel_loop3A_165 = tpu.vector_load %arg9[%parallel_loop3A_164] {strides = array<i32>} : memref<16384xf32, #tpu.memory_space<vmem>>, vector<16xf32>,
        %parallel_loop3A_166 = vector.bitcast %parallel_loop3A_165 : vector<16xf32> to vector<16xi32>
        %parallel_loop3A_167 = arith.constant 20 : i32
        %parallel_loop3A_168 = vector.broadcast %parallel_loop3A_167 : i32 to vector<16xi32>
        %parallel_loop3A_169 = arith.shrui %parallel_loop3A_166, %parallel_loop3A_168 : vector<16xi32>
        %parallel_loop3A_170 = arith.constant 1087 : i32
        %parallel_loop3A_171 = vector.broadcast %parallel_loop3A_170 : i32 to vector<16xi32>
        %parallel_loop3A_172 = arith.minsi %parallel_loop3A_169, %parallel_loop3A_171 : vector<16xi32>
        %parallel_loop3A_173 = arith.constant 3 : i32
        %parallel_loop3A_174 = vector.broadcast %parallel_loop3A_173 : i32 to vector<16xi32>
        %parallel_loop3A_175 = arith.shrui %parallel_loop3A_172, %parallel_loop3A_174 : vector<16xi32>
        %parallel_loop3A_176 = arith.constant 7 : i32
        %parallel_loop3A_177 = vector.broadcast %parallel_loop3A_176 : i32 to vector<16xi32>
        %parallel_loop3A_178 = arith.andi %parallel_loop3A_172, %parallel_loop3A_177 : vector<16xi32>
        %parallel_loop3A_179 = arith.constant 4 : i32
        %parallel_loop3A_180 = vector.broadcast %parallel_loop3A_179 : i32 to vector<16xi32>
        %parallel_loop3A_181 = arith.shli %parallel_loop3A_178, %parallel_loop3A_180 : vector<16xi32>
        %parallel_loop3A_182 = arith.ori %parallel_loop3A_181, %iota3A : vector<16xi32>
        tpu.vector_store_idx %arg7[%parallel_loop3A_175, %parallel_loop3A_182], %broadcast_in_dim3A_87 {add = true} : memref<136x128xf32, #tpu.memory_space<vmem>>[vector<16xi32>, vector<16xi32>], vector<16xf32>,
        tpu.vector_store_idx %arg8[%parallel_loop3A_175, %parallel_loop3A_182], %parallel_loop3A_165 {add = true} : memref<136x128xf32, #tpu.memory_space<vmem>>[vector<16xi32>, vector<16xi32>], vector<16xf32>,
      } {sc.loop_unroll_factor = 4 : i64, sc.parallel_access}
      %add3A_108 = arith.constant 2 : i32
      %add3A_109 = arith.addi %add3A_100, %add3A_108 : i32
      %lt3A_110 = arith.constant 8 : i32
      %lt3A_111 = arith.cmpi slt, %add3A_109, %lt3A_110 : i32
      %convert_element_type3A = arith.extui %lt3A_111 : i1 to i32
      %cond3A = arith.constant 0 : i32
      %cond3A_112 = arith.cmpi ne, %convert_element_type3A, %cond3A : i32
      scf.if %cond3A_112 {
        %add3A_132 = arith.constant 2 : i32
        %add3A_133 = arith.addi %add3A_100, %add3A_132 : i32
        %mul3A_134 = arith.constant 16384 : i32
        %mul3A_135 = arith.muli %add3A_133, %mul3A_134 : i32
        %add3A_136 = arith.addi %mul3A_2, %mul3A_135 : i32
        %dma_start3A_137 = tpu.memref_slice %arg2[%add3A_136] : memref<4194304xf32, #tpu.memory_space<hbm>> -> memref<16384xf32, #tpu.memory_space<hbm>>
        %dma_start3A_138 = tpu.memref_slice %arg2[%add3A_136] : memref<4194304xf32, #tpu.memory_space<hbm>> -> memref<16384xf32, #tpu.memory_space<hbm>>
        tpu.enqueue_dma source(%dma_start3A_138 : memref<16384xf32, #tpu.memory_space<hbm>>) target(%arg9 : memref<16384xf32, #tpu.memory_space<vmem>>) target_semaphore(%arg11 : memref<!tpu.dma_semaphore, #tpu.memory_space<semaphore_mem>>)
      } else {
      }
      %mul3A_113 = arith.constant 2 : i32
      %mul3A_114 = arith.muli %scan3A_96, %mul3A_113 : i32
      %add3A_115 = arith.constant 1 : i32
      %add3A_116 = arith.addi %mul3A_114, %add3A_115 : i32
      %mul3A_117 = arith.constant 16384 : i32
      %mul3A_118 = arith.muli %add3A_116, %mul3A_117 : i32
      %add3A_119 = arith.addi %mul3A_2, %mul3A_118 : i32
      %dma_wait3A_120 = tpu.memref_slice %arg2[%add3A_119] : memref<4194304xf32, #tpu.memory_space<hbm>> -> memref<16384xf32, #tpu.memory_space<hbm>>
      %dma_wait3A_121 = tpu.memref_slice %arg2[%add3A_119] : memref<4194304xf32, #tpu.memory_space<hbm>> -> memref<16384xf32, #tpu.memory_space<hbm>>
      tpu.wait_dma2 semaphore(%arg12 : memref<!tpu.dma_semaphore, #tpu.memory_space<semaphore_mem>>) src(%dma_wait3A_121 : memref<16384xf32, #tpu.memory_space<hbm>>) dst(%arg10 : memref<16384xf32, #tpu.memory_space<vmem>>)
      %parallel_loop3A_122 = arith.constant 0 : i32
      %parallel_loop3A_123 = arith.constant 512 : i32
      %parallel_loop3A_124 = arith.constant 1 : i32
      scf.for %parallel_loop3A_132 = %parallel_loop3A_122 to %parallel_loop3A_123 step %parallel_loop3A_124  : i32 {
        %parallel_loop3A_133 = arith.constant 2 : i32
        %parallel_loop3A_134 = arith.muli %parallel_loop3A_133, %parallel_loop3A_132 : i32
        %parallel_loop3A_135 = arith.constant 0 : i32
        %parallel_loop3A_136 = arith.addi %parallel_loop3A_134, %parallel_loop3A_135 : i32
        %parallel_loop3A_137 = arith.constant 16 : i32
        %parallel_loop3A_138 = arith.muli %parallel_loop3A_136, %parallel_loop3A_137 : i32
        %parallel_loop3A_139 = arith.index_cast %parallel_loop3A_138 : i32 to index
        %parallel_loop3A_140 = tpu.vector_load %arg10[%parallel_loop3A_139] {strides = array<i32>} : memref<16384xf32, #tpu.memory_space<vmem>>, vector<16xf32>,
        %parallel_loop3A_141 = vector.bitcast %parallel_loop3A_140 : vector<16xf32> to vector<16xi32>
        %parallel_loop3A_142 = arith.constant 20 : i32
        %parallel_loop3A_143 = vector.broadcast %parallel_loop3A_142 : i32 to vector<16xi32>
        %parallel_loop3A_144 = arith.shrui %parallel_loop3A_141, %parallel_loop3A_143 : vector<16xi32>
        %parallel_loop3A_145 = arith.constant 1087 : i32
        %parallel_loop3A_146 = vector.broadcast %parallel_loop3A_145 : i32 to vector<16xi32>
        %parallel_loop3A_147 = arith.minsi %parallel_loop3A_144, %parallel_loop3A_146 : vector<16xi32>
        %parallel_loop3A_148 = arith.constant 3 : i32
        %parallel_loop3A_149 = vector.broadcast %parallel_loop3A_148 : i32 to vector<16xi32>
        %parallel_loop3A_150 = arith.shrui %parallel_loop3A_147, %parallel_loop3A_149 : vector<16xi32>
        %parallel_loop3A_151 = arith.constant 7 : i32
        %parallel_loop3A_152 = vector.broadcast %parallel_loop3A_151 : i32 to vector<16xi32>
        %parallel_loop3A_153 = arith.andi %parallel_loop3A_147, %parallel_loop3A_152 : vector<16xi32>
        %parallel_loop3A_154 = arith.constant 4 : i32
        %parallel_loop3A_155 = vector.broadcast %parallel_loop3A_154 : i32 to vector<16xi32>
        %parallel_loop3A_156 = arith.shli %parallel_loop3A_153, %parallel_loop3A_155 : vector<16xi32>
        %parallel_loop3A_157 = arith.ori %parallel_loop3A_156, %iota3A : vector<16xi32>
        tpu.vector_store_idx %arg5[%parallel_loop3A_150, %parallel_loop3A_157], %broadcast_in_dim3A_87 {add = true} : memref<136x128xf32, #tpu.memory_space<vmem>>[vector<16xi32>, vector<16xi32>], vector<16xf32>,
        tpu.vector_store_idx %arg6[%parallel_loop3A_150, %parallel_loop3A_157], %parallel_loop3A_140 {add = true} : memref<136x128xf32, #tpu.memory_space<vmem>>[vector<16xi32>, vector<16xi32>], vector<16xf32>,
        %parallel_loop3A_158 = arith.constant 2 : i32
        %parallel_loop3A_159 = arith.muli %parallel_loop3A_158, %parallel_loop3A_132 : i32
        %parallel_loop3A_160 = arith.constant 1 : i32
        %parallel_loop3A_161 = arith.addi %parallel_loop3A_159, %parallel_loop3A_160 : i32
        %parallel_loop3A_162 = arith.constant 16 : i32
        %parallel_loop3A_163 = arith.muli %parallel_loop3A_161, %parallel_loop3A_162 : i32
        %parallel_loop3A_164 = arith.index_cast %parallel_loop3A_163 : i32 to index
        %parallel_loop3A_165 = tpu.vector_load %arg10[%parallel_loop3A_164] {strides = array<i32>} : memref<16384xf32, #tpu.memory_space<vmem>>, vector<16xf32>,
        %parallel_loop3A_166 = vector.bitcast %parallel_loop3A_165 : vector<16xf32> to vector<16xi32>
        %parallel_loop3A_167 = arith.constant 20 : i32
        %parallel_loop3A_168 = vector.broadcast %parallel_loop3A_167 : i32 to vector<16xi32>
        %parallel_loop3A_169 = arith.shrui %parallel_loop3A_166, %parallel_loop3A_168 : vector<16xi32>
        %parallel_loop3A_170 = arith.constant 1087 : i32
        %parallel_loop3A_171 = vector.broadcast %parallel_loop3A_170 : i32 to vector<16xi32>
        %parallel_loop3A_172 = arith.minsi %parallel_loop3A_169, %parallel_loop3A_171 : vector<16xi32>
        %parallel_loop3A_173 = arith.constant 3 : i32
        %parallel_loop3A_174 = vector.broadcast %parallel_loop3A_173 : i32 to vector<16xi32>
        %parallel_loop3A_175 = arith.shrui %parallel_loop3A_172, %parallel_loop3A_174 : vector<16xi32>
        %parallel_loop3A_176 = arith.constant 7 : i32
        %parallel_loop3A_177 = vector.broadcast %parallel_loop3A_176 : i32 to vector<16xi32>
        %parallel_loop3A_178 = arith.andi %parallel_loop3A_172, %parallel_loop3A_177 : vector<16xi32>
        %parallel_loop3A_179 = arith.constant 4 : i32
        %parallel_loop3A_180 = vector.broadcast %parallel_loop3A_179 : i32 to vector<16xi32>
        %parallel_loop3A_181 = arith.shli %parallel_loop3A_178, %parallel_loop3A_180 : vector<16xi32>
        %parallel_loop3A_182 = arith.ori %parallel_loop3A_181, %iota3A : vector<16xi32>
        tpu.vector_store_idx %arg7[%parallel_loop3A_175, %parallel_loop3A_182], %broadcast_in_dim3A_87 {add = true} : memref<136x128xf32, #tpu.memory_space<vmem>>[vector<16xi32>, vector<16xi32>], vector<16xf32>,
        tpu.vector_store_idx %arg8[%parallel_loop3A_175, %parallel_loop3A_182], %parallel_loop3A_165 {add = true} : memref<136x128xf32, #tpu.memory_space<vmem>>[vector<16xi32>, vector<16xi32>], vector<16xf32>,
      } {sc.loop_unroll_factor = 4 : i64, sc.parallel_access}
      %add3A_125 = arith.constant 2 : i32
      %add3A_126 = arith.addi %add3A_116, %add3A_125 : i32
      %lt3A_127 = arith.constant 8 : i32
      %lt3A_128 = arith.cmpi slt, %add3A_126, %lt3A_127 : i32
      %convert_element_type3A_129 = arith.extui %lt3A_128 : i1 to i32
      %cond3A_130 = arith.constant 0 : i32
      %cond3A_131 = arith.cmpi ne, %convert_element_type3A_129, %cond3A_130 : i32
      scf.if %cond3A_131 {
        %add3A_132 = arith.constant 2 : i32
        %add3A_133 = arith.addi %add3A_116, %add3A_132 : i32
        %mul3A_134 = arith.constant 16384 : i32
        %mul3A_135 = arith.muli %add3A_133, %mul3A_134 : i32
        %add3A_136 = arith.addi %mul3A_2, %mul3A_135 : i32
        %dma_start3A_137 = tpu.memref_slice %arg2[%add3A_136] : memref<4194304xf32, #tpu.memory_space<hbm>> -> memref<16384xf32, #tpu.memory_space<hbm>>
        %dma_start3A_138 = tpu.memref_slice %arg2[%add3A_136] : memref<4194304xf32, #tpu.memory_space<hbm>> -> memref<16384xf32, #tpu.memory_space<hbm>>
        tpu.enqueue_dma source(%dma_start3A_138 : memref<16384xf32, #tpu.memory_space<hbm>>) target(%arg10 : memref<16384xf32, #tpu.memory_space<vmem>>) target_semaphore(%arg12 : memref<!tpu.dma_semaphore, #tpu.memory_space<semaphore_mem>>)
      } else {
      }
    }
    %scan3A_92 = arith.constant 4 : i32
    %parallel_loop3A_93 = arith.constant 0 : i32
    %parallel_loop3A_94 = arith.constant 1088 : i32
    %parallel_loop3A_95 = arith.constant 1 : i32
    scf.for %parallel_loop3A_96 = %parallel_loop3A_93 to %parallel_loop3A_94 step %parallel_loop3A_95  : i32 {
      %parallel_loop3A_97 = arith.constant 3 : i32
      %parallel_loop3A_98 = arith.shrui %parallel_loop3A_96, %parallel_loop3A_97 : i32
      %parallel_loop3A_99 = arith.constant 7 : i32
      %parallel_loop3A_100 = arith.andi %parallel_loop3A_96, %parallel_loop3A_99 : i32
      %parallel_loop3A_101 = arith.constant 4 : i32
      %parallel_loop3A_102 = arith.shli %parallel_loop3A_100, %parallel_loop3A_101 : i32
      %parallel_loop3A_103 = arith.index_cast %parallel_loop3A_98 : i32 to index
      %parallel_loop3A_104 = arith.index_cast %parallel_loop3A_102 : i32 to index
      %parallel_loop3A_105 = tpu.vector_load %arg5[%parallel_loop3A_103, %parallel_loop3A_104] {strides = array<i32>} : memref<136x128xf32, #tpu.memory_space<vmem>>, vector<16xf32>,
      %parallel_loop3A_106 = arith.index_cast %parallel_loop3A_98 : i32 to index
      %parallel_loop3A_107 = arith.index_cast %parallel_loop3A_102 : i32 to index
      %parallel_loop3A_108 = tpu.vector_load %arg7[%parallel_loop3A_106, %parallel_loop3A_107] {strides = array<i32>} : memref<136x128xf32, #tpu.memory_space<vmem>>, vector<16xf32>,
      %parallel_loop3A_109 = arith.addf %parallel_loop3A_105, %parallel_loop3A_108 : vector<16xf32>
      %parallel_loop3A_110 = arith.index_cast %parallel_loop3A_98 : i32 to index
      %parallel_loop3A_111 = arith.index_cast %parallel_loop3A_102 : i32 to index
      %parallel_loop3A_112 = tpu.vector_load %arg5[%parallel_loop3A_110, %parallel_loop3A_111] {strides = array<i32>} : memref<136x128xf32, #tpu.memory_space<vmem>>, vector<16xf32>,
      tpu.vector_store %arg5[%parallel_loop3A_110, %parallel_loop3A_111], %parallel_loop3A_109 {strides = array<i32>} : memref<136x128xf32, #tpu.memory_space<vmem>>, vector<16xf32>,
      %parallel_loop3A_113 = arith.index_cast %parallel_loop3A_98 : i32 to index
      %parallel_loop3A_114 = arith.index_cast %parallel_loop3A_102 : i32 to index
      %parallel_loop3A_115 = tpu.vector_load %arg6[%parallel_loop3A_113, %parallel_loop3A_114] {strides = array<i32>} : memref<136x128xf32, #tpu.memory_space<vmem>>, vector<16xf32>,
      %parallel_loop3A_116 = arith.index_cast %parallel_loop3A_98 : i32 to index
      %parallel_loop3A_117 = arith.index_cast %parallel_loop3A_102 : i32 to index
      %parallel_loop3A_118 = tpu.vector_load %arg8[%parallel_loop3A_116, %parallel_loop3A_117] {strides = array<i32>} : memref<136x128xf32, #tpu.memory_space<vmem>>, vector<16xf32>,
      %parallel_loop3A_119 = arith.addf %parallel_loop3A_115, %parallel_loop3A_118 : vector<16xf32>
      %parallel_loop3A_120 = arith.index_cast %parallel_loop3A_98 : i32 to index
      %parallel_loop3A_121 = arith.index_cast %parallel_loop3A_102 : i32 to index
      %parallel_loop3A_122 = tpu.vector_load %arg6[%parallel_loop3A_120, %parallel_loop3A_121] {strides = array<i32>} : memref<136x128xf32, #tpu.memory_space<vmem>>, vector<16xf32>,
      tpu.vector_store %arg6[%parallel_loop3A_120, %parallel_loop3A_121], %parallel_loop3A_119 {strides = array<i32>} : memref<136x128xf32, #tpu.memory_space<vmem>>, vector<16xf32>,
    } {sc.loop_unroll_factor = 8 : i64, sc.parallel_access}
    "tpu.region"() ({
      %run_scoped3A = tpu.sem_alloc : memref<!tpu.dma_semaphore, #tpu.memory_space<semaphore_mem>>
      %dma_start3A_96 = arith.constant 0 : i32
      %dma_start3A_97 = arith.constant 0 : i32
      %dma_start3A_98 = tpu.memref_slice %arg3[%select_n3A_32, %add3A_75, %dma_start3A_96, %dma_start3A_97] : memref<2x16x136x128xf32, #tpu.memory_space<hbm>> -> memref<1x1x136x128xf32, #tpu.memory_space<hbm>>
      %dma_start3A_99 = tpu.memref_squeeze %dma_start3A_98 : memref<1x1x136x128xf32, #tpu.memory_space<hbm>> -> memref<136x128xf32, #tpu.memory_space<hbm>>
      %dma_start3A_100 = arith.constant 0 : i32
      %dma_start3A_101 = arith.constant 0 : i32
      %dma_start3A_102 = tpu.memref_slice %arg3[%select_n3A_32, %add3A_75, %dma_start3A_100, %dma_start3A_101] : memref<2x16x136x128xf32, #tpu.memory_space<hbm>> -> memref<1x1x136x128xf32, #tpu.memory_space<hbm>>
      %dma_start3A_103 = tpu.memref_squeeze %dma_start3A_102 : memref<1x1x136x128xf32, #tpu.memory_space<hbm>> -> memref<136x128xf32, #tpu.memory_space<hbm>>
      tpu.enqueue_dma source(%arg5 : memref<136x128xf32, #tpu.memory_space<vmem>>) target(%dma_start3A_103 : memref<136x128xf32, #tpu.memory_space<hbm>>) target_semaphore(%run_scoped3A : memref<!tpu.dma_semaphore, #tpu.memory_space<semaphore_mem>>)
      %dma_wait3A = arith.constant 0 : i32
      %dma_wait3A_104 = arith.constant 0 : i32
      %dma_wait3A_105 = tpu.memref_slice %arg3[%select_n3A_32, %add3A_75, %dma_wait3A, %dma_wait3A_104] : memref<2x16x136x128xf32, #tpu.memory_space<hbm>> -> memref<1x1x136x128xf32, #tpu.memory_space<hbm>>
      %dma_wait3A_106 = tpu.memref_squeeze %dma_wait3A_105 : memref<1x1x136x128xf32, #tpu.memory_space<hbm>> -> memref<136x128xf32, #tpu.memory_space<hbm>>
      %dma_wait3A_107 = arith.constant 0 : i32
      %dma_wait3A_108 = arith.constant 0 : i32
      %dma_wait3A_109 = tpu.memref_slice %arg3[%select_n3A_32, %add3A_75, %dma_wait3A_107, %dma_wait3A_108] : memref<2x16x136x128xf32, #tpu.memory_space<hbm>> -> memref<1x1x136x128xf32, #tpu.memory_space<hbm>>
      %dma_wait3A_110 = tpu.memref_squeeze %dma_wait3A_109 : memref<1x1x136x128xf32, #tpu.memory_space<hbm>> -> memref<136x128xf32, #tpu.memory_space<hbm>>
      tpu.wait_dma2 semaphore(%run_scoped3A : memref<!tpu.dma_semaphore, #tpu.memory_space<semaphore_mem>>) src(%arg5 : memref<136x128xf32, #tpu.memory_space<vmem>>) dst(%dma_wait3A_110 : memref<136x128xf32, #tpu.memory_space<hbm>>)
      tpu.yield
    }) : () -> ()
    "tpu.region"() ({
      %run_scoped3A = tpu.sem_alloc : memref<!tpu.dma_semaphore, #tpu.memory_space<semaphore_mem>>
      %dma_start3A_96 = arith.constant 0 : i32
      %dma_start3A_97 = arith.constant 0 : i32
      %dma_start3A_98 = tpu.memref_slice %arg4[%select_n3A_32, %add3A_75, %dma_start3A_96, %dma_start3A_97] : memref<2x16x136x128xf32, #tpu.memory_space<hbm>> -> memref<1x1x136x128xf32, #tpu.memory_space<hbm>>
      %dma_start3A_99 = tpu.memref_squeeze %dma_start3A_98 : memref<1x1x136x128xf32, #tpu.memory_space<hbm>> -> memref<136x128xf32, #tpu.memory_space<hbm>>
      %dma_start3A_100 = arith.constant 0 : i32
      %dma_start3A_101 = arith.constant 0 : i32
      %dma_start3A_102 = tpu.memref_slice %arg4[%select_n3A_32, %add3A_75, %dma_start3A_100, %dma_start3A_101] : memref<2x16x136x128xf32, #tpu.memory_space<hbm>> -> memref<1x1x136x128xf32, #tpu.memory_space<hbm>>
      %dma_start3A_103 = tpu.memref_squeeze %dma_start3A_102 : memref<1x1x136x128xf32, #tpu.memory_space<hbm>> -> memref<136x128xf32, #tpu.memory_space<hbm>>
      tpu.enqueue_dma source(%arg6 : memref<136x128xf32, #tpu.memory_space<vmem>>) target(%dma_start3A_103 : memref<136x128xf32, #tpu.memory_space<hbm>>) target_semaphore(%run_scoped3A : memref<!tpu.dma_semaphore, #tpu.memory_space<semaphore_mem>>)
      %dma_wait3A = arith.constant 0 : i32
      %dma_wait3A_104 = arith.constant 0 : i32
      %dma_wait3A_105 = tpu.memref_slice %arg4[%select_n3A_32, %add3A_75, %dma_wait3A, %dma_wait3A_104] : memref<2x16x136x128xf32, #tpu.memory_space<hbm>> -> memref<1x1x136x128xf32, #tpu.memory_space<hbm>>
      %dma_wait3A_106 = tpu.memref_squeeze %dma_wait3A_105 : memref<1x1x136x128xf32, #tpu.memory_space<hbm>> -> memref<136x128xf32, #tpu.memory_space<hbm>>
      %dma_wait3A_107 = arith.constant 0 : i32
      %dma_wait3A_108 = arith.constant 0 : i32
      %dma_wait3A_109 = tpu.memref_slice %arg4[%select_n3A_32, %add3A_75, %dma_wait3A_107, %dma_wait3A_108] : memref<2x16x136x128xf32, #tpu.memory_space<hbm>> -> memref<1x1x136x128xf32, #tpu.memory_space<hbm>>
      %dma_wait3A_110 = tpu.memref_squeeze %dma_wait3A_109 : memref<1x1x136x128xf32, #tpu.memory_space<hbm>> -> memref<136x128xf32, #tpu.memory_space<hbm>>
      tpu.wait_dma2 semaphore(%run_scoped3A : memref<!tpu.dma_semaphore, #tpu.memory_space<semaphore_mem>>) src(%arg6 : memref<136x128xf32, #tpu.memory_space<vmem>>) dst(%dma_wait3A_110 : memref<136x128xf32, #tpu.memory_space<hbm>>)
      tpu.yield
    }) : () -> ()
    return
  }
}

module attributes {stable_mosaic.version = 14 : i64} {
  func.func @_bce_body(%arg0: i32, %arg1: memref<1x2x512x512xf32, #tpu.memory_space<vmem>>, %arg2: memref<1x2x512x512xf32, #tpu.memory_space<vmem>>, %arg3: memref<4096x128xf32, #tpu.memory_space<vmem>>) attributes {dimension_semantics = [#tpu.dimension_semantics<arbitrary>], iteration_bounds = array<i64: 8>, scalar_prefetch = 0 : i64, scratch_operands = 0 : i64, tpu.core_type = #tpu.core_type<tc>, window_params = [{transform_indices = @transform_0, window_bounds = array<i64: 1, 2, 512, 512>}, {transform_indices = @transform_1, window_bounds = array<i64: 1, 2, 512, 512>}, {transform_indices = @transform_2, window_bounds = array<i64: 4096, 128>}]} {
    %get3A = arith.constant 0 : index
    %get3A_0 = arith.constant 0 : index
    %get3A_1 = arith.constant 0 : index
    %get3A_2 = arith.constant 0 : index
    %get3A_3 = vector.load %arg1[%get3A, %get3A_0, %get3A_1, %get3A_2] : memref<1x2x512x512xf32, #tpu.memory_space<vmem>>, vector<1x2x512x512xf32>
    %get3A_4 = arith.constant 0 : index
    %get3A_5 = arith.constant 0 : index
    %get3A_6 = arith.constant 0 : index
    %get3A_7 = arith.constant 0 : index
    %get3A_8 = vector.load %arg2[%get3A_4, %get3A_5, %get3A_6, %get3A_7] : memref<1x2x512x512xf32, #tpu.memory_space<vmem>>, vector<1x2x512x512xf32>
    %log3A = math.log %get3A_3 : vector<1x2x512x512xf32>
    %max3A = arith.constant -1.000000e+02 : f32
    %max3A_9 = vector.broadcast %max3A : f32 to vector<1x2x512x512xf32>
    %max3A_10 = arith.maximumf %log3A, %max3A_9 : vector<1x2x512x512xf32>
    %sub3A = arith.constant 1.000000e+00 : f32
    %sub3A_11 = vector.broadcast %sub3A : f32 to vector<1x2x512x512xf32>
    %sub3A_12 = arith.subf %sub3A_11, %get3A_3 : vector<1x2x512x512xf32>
    %log3A_13 = math.log %sub3A_12 : vector<1x2x512x512xf32>
    %max3A_14 = arith.constant -1.000000e+02 : f32
    %max3A_15 = vector.broadcast %max3A_14 : f32 to vector<1x2x512x512xf32>
    %max3A_16 = arith.maximumf %log3A_13, %max3A_15 : vector<1x2x512x512xf32>
    %mul3A = arith.mulf %get3A_8, %max3A_10 : vector<1x2x512x512xf32>
    %sub3A_17 = arith.constant 1.000000e+00 : f32
    %sub3A_18 = vector.broadcast %sub3A_17 : f32 to vector<1x2x512x512xf32>
    %sub3A_19 = arith.subf %sub3A_18, %get3A_8 : vector<1x2x512x512xf32>
    %mul3A_20 = arith.mulf %sub3A_19, %max3A_16 : vector<1x2x512x512xf32>
    %add3A = arith.addf %mul3A, %mul3A_20 : vector<1x2x512x512xf32>
    %neg3A = arith.constant 0.000000e+00 : f32
    %neg3A_21 = vector.broadcast %neg3A : f32 to vector<1x2x512x512xf32>
    %neg3A_22 = arith.subf %neg3A_21, %add3A : vector<1x2x512x512xf32>
    %max3A_23 = arith.constant 0.000000e+00 : f32
    %max3A_24 = vector.broadcast %max3A_23 : f32 to vector<1x2x512x512xf32>
    %max3A_25 = arith.maximumf %neg3A_22, %max3A_24 : vector<1x2x512x512xf32>
    %reshape3A = vector.shape_cast %max3A_25 : vector<1x2x512x512xf32> to vector<4096x128xf32>
    %swap3A = arith.constant 0 : index
    %swap3A_26 = arith.constant 0 : index
    %swap3A_27 = vector.load %arg3[%swap3A, %swap3A_26] : memref<4096x128xf32, #tpu.memory_space<vmem>>, vector<4096x128xf32>
    tpu.vector_store %arg3[%swap3A, %swap3A_26], %reshape3A {strides = array<i32>} : memref<4096x128xf32, #tpu.memory_space<vmem>>, vector<4096x128xf32>,
    return
  }
  func.func @transform_0(%arg0: i32) -> (i32, i32, i32, i32) {
    %c0_i32 = arith.constant 0 : i32
    %c0_i32_0 = arith.constant 0 : i32
    %c0_i32_1 = arith.constant 0 : i32
    %c0_i32_2 = arith.constant 0 : i32
    return %arg0, %c0_i32, %c0_i32_0, %c0_i32_1 : i32, i32, i32, i32
  }
  func.func @transform_1(%arg0: i32) -> (i32, i32, i32, i32) {
    %c0_i32 = arith.constant 0 : i32
    %c0_i32_0 = arith.constant 0 : i32
    %c0_i32_1 = arith.constant 0 : i32
    %c0_i32_2 = arith.constant 0 : i32
    return %arg0, %c0_i32, %c0_i32_0, %c0_i32_1 : i32, i32, i32, i32
  }
  func.func @transform_2(%arg0: i32) -> (i32, i32) {
    %c0_i32 = arith.constant 0 : i32
    %c0_i32_0 = arith.constant 0 : i32
    return %arg0, %c0_i32 : i32, i32
  }
}

module attributes {stable_mosaic.version = 14 : i64} {
  func.func @_finish_body(%arg0: memref<2x16x136x128xf32, #tpu.memory_space<vmem>>, %arg1: memref<2x16x136x128xf32, #tpu.memory_space<vmem>>, %arg2: memref<1x1xf32, #tpu.memory_space<smem>>) attributes {dimension_semantics = [], scalar_prefetch = 0 : i64, scratch_operands = 0 : i64, tpu.core_type = #tpu.core_type<tc>} {
    %iota3A = tpu.iota {dimensions = array<i32: 0>} : vector<136x128xi32>
    %iota3A_0 = tpu.iota {dimensions = array<i32: 1>} : vector<136x128xi32>
    %mul3A = arith.constant 8 : i32
    %mul3A_1 = vector.broadcast %mul3A : i32 to vector<136x128xi32>
    %mul3A_2 = arith.muli %iota3A, %mul3A_1 : vector<136x128xi32>
    %shift_right_logical3A = arith.constant 4 : i32
    %shift_right_logical3A_3 = vector.broadcast %shift_right_logical3A : i32 to vector<136x128xi32>
    %shift_right_logical3A_4 = arith.shrui %iota3A_0, %shift_right_logical3A_3 : vector<136x128xi32>
    %add3A = arith.addi %mul3A_2, %shift_right_logical3A_4 : vector<136x128xi32>
    %and3A = arith.constant 15 : i32
    %and3A_5 = vector.broadcast %and3A : i32 to vector<136x128xi32>
    %and3A_6 = arith.andi %iota3A_0, %and3A_5 : vector<136x128xi32>
    %eq3A = arith.constant 15 : i32
    %eq3A_7 = vector.broadcast %eq3A : i32 to vector<136x128xi32>
    %eq3A_8 = arith.cmpi eq, %and3A_6, %eq3A_7 : vector<136x128xi32>
    %and3A_9 = arith.constant 15 : i32
    %and3A_10 = vector.broadcast %and3A_9 : i32 to vector<136x128xi32>
    %and3A_11 = arith.andi %iota3A_0, %and3A_10 : vector<136x128xi32>
    %eq3A_12 = arith.constant 0 : i32
    %eq3A_13 = vector.broadcast %eq3A_12 : i32 to vector<136x128xi32>
    %eq3A_14 = arith.cmpi eq, %and3A_11, %eq3A_13 : vector<136x128xi32>
    %shift_left3A = arith.constant 20 : i32
    %shift_left3A_15 = vector.broadcast %shift_left3A : i32 to vector<136x128xi32>
    %shift_left3A_16 = arith.shli %add3A, %shift_left3A_15 : vector<136x128xi32>
    %bitcast_convert_type3A = tpu.bitcast %shift_left3A_16 : vector<136x128xi32> -> vector<136x128xf32>
    %add3A_17 = arith.constant 1 : i32
    %add3A_18 = vector.broadcast %add3A_17 : i32 to vector<136x128xi32>
    %add3A_19 = arith.addi %add3A, %add3A_18 : vector<136x128xi32>
    %shift_left3A_20 = arith.constant 20 : i32
    %shift_left3A_21 = vector.broadcast %shift_left3A_20 : i32 to vector<136x128xi32>
    %shift_left3A_22 = arith.shli %add3A_19, %shift_left3A_21 : vector<136x128xi32>
    %bitcast_convert_type3A_23 = tpu.bitcast %shift_left3A_22 : vector<136x128xi32> -> vector<136x128xf32>
    %get3A = arith.constant 0 : index
    %get3A_24 = arith.constant 0 : index
    %get3A_25 = arith.constant 0 : index
    %get3A_26 = arith.constant 0 : index
    %get3A_27 = vector.load %arg0[%get3A, %get3A_24, %get3A_25, %get3A_26] : memref<2x16x136x128xf32, #tpu.memory_space<vmem>>, vector<1x16x136x128xf32>
    %get3A_28 = vector.shape_cast %get3A_27 : vector<1x16x136x128xf32> to vector<16x136x128xf32>
    %reduce_sum3A = arith.constant dense<0.000000e+00> : vector<136x128xf32>
    %reduce_sum3A_29 = vector.multi_reduction <add>, %get3A_28, %reduce_sum3A [0] : vector<16x136x128xf32> to vector<136x128xf32>
    %get3A_30 = arith.constant 0 : index
    %get3A_31 = arith.constant 0 : index
    %get3A_32 = arith.constant 0 : index
    %get3A_33 = arith.constant 0 : index
    %get3A_34 = vector.load %arg1[%get3A_30, %get3A_31, %get3A_32, %get3A_33] : memref<2x16x136x128xf32, #tpu.memory_space<vmem>>, vector<1x16x136x128xf32>
    %get3A_35 = vector.shape_cast %get3A_34 : vector<1x16x136x128xf32> to vector<16x136x128xf32>
    %reduce_sum3A_36 = arith.constant dense<0.000000e+00> : vector<136x128xf32>
    %reduce_sum3A_37 = vector.multi_reduction <add>, %get3A_35, %reduce_sum3A_36 [0] : vector<16x136x128xf32> to vector<136x128xf32>
    %broadcast_in_dim3A = arith.constant 0.000000e+00 : f32
    %broadcast_in_dim3A_38 = vector.broadcast %broadcast_in_dim3A : f32 to vector<136x1xf32>
    %slice3A = vector.extract_strided_slice %reduce_sum3A_29 {offsets = [0, 0], sizes = [136, 127], strides = [1, 1]} : vector<136x128xf32> to vector<136x127xf32>
    %concatenate3A = tpu.concatenate %broadcast_in_dim3A_38, %slice3A in 1 : vector<136x1xf32>, vector<136x127xf32> -> vector<136x128xf32>
    %add3A_39 = arith.addf %reduce_sum3A_29, %concatenate3A : vector<136x128xf32>
    %broadcast_in_dim3A_40 = arith.constant 0.000000e+00 : f32
    %broadcast_in_dim3A_41 = vector.broadcast %broadcast_in_dim3A_40 : f32 to vector<136x2xf32>
    %slice3A_42 = vector.extract_strided_slice %add3A_39 {offsets = [0, 0], sizes = [136, 126], strides = [1, 1]} : vector<136x128xf32> to vector<136x126xf32>
    %concatenate3A_43 = tpu.concatenate %broadcast_in_dim3A_41, %slice3A_42 in 1 : vector<136x2xf32>, vector<136x126xf32> -> vector<136x128xf32>
    %add3A_44 = arith.addf %add3A_39, %concatenate3A_43 : vector<136x128xf32>
    %broadcast_in_dim3A_45 = arith.constant 0.000000e+00 : f32
    %broadcast_in_dim3A_46 = vector.broadcast %broadcast_in_dim3A_45 : f32 to vector<136x4xf32>
    %slice3A_47 = vector.extract_strided_slice %add3A_44 {offsets = [0, 0], sizes = [136, 124], strides = [1, 1]} : vector<136x128xf32> to vector<136x124xf32>
    %concatenate3A_48 = tpu.concatenate %broadcast_in_dim3A_46, %slice3A_47 in 1 : vector<136x4xf32>, vector<136x124xf32> -> vector<136x128xf32>
    %add3A_49 = arith.addf %add3A_44, %concatenate3A_48 : vector<136x128xf32>
    %broadcast_in_dim3A_50 = arith.constant 0.000000e+00 : f32
    %broadcast_in_dim3A_51 = vector.broadcast %broadcast_in_dim3A_50 : f32 to vector<136x8xf32>
    %slice3A_52 = vector.extract_strided_slice %add3A_49 {offsets = [0, 0], sizes = [136, 120], strides = [1, 1]} : vector<136x128xf32> to vector<136x120xf32>
    %concatenate3A_53 = tpu.concatenate %broadcast_in_dim3A_51, %slice3A_52 in 1 : vector<136x8xf32>, vector<136x120xf32> -> vector<136x128xf32>
    %add3A_54 = arith.addf %add3A_49, %concatenate3A_53 : vector<136x128xf32>
    %broadcast_in_dim3A_55 = arith.constant 0.000000e+00 : f32
    %broadcast_in_dim3A_56 = vector.broadcast %broadcast_in_dim3A_55 : f32 to vector<136x16xf32>
    %slice3A_57 = vector.extract_strided_slice %add3A_54 {offsets = [0, 0], sizes = [136, 112], strides = [1, 1]} : vector<136x128xf32> to vector<136x112xf32>
    %concatenate3A_58 = tpu.concatenate %broadcast_in_dim3A_56, %slice3A_57 in 1 : vector<136x16xf32>, vector<136x112xf32> -> vector<136x128xf32>
    %add3A_59 = arith.addf %add3A_54, %concatenate3A_58 : vector<136x128xf32>
    %broadcast_in_dim3A_60 = arith.constant 0.000000e+00 : f32
    %broadcast_in_dim3A_61 = vector.broadcast %broadcast_in_dim3A_60 : f32 to vector<136x32xf32>
    %slice3A_62 = vector.extract_strided_slice %add3A_59 {offsets = [0, 0], sizes = [136, 96], strides = [1, 1]} : vector<136x128xf32> to vector<136x96xf32>
    %concatenate3A_63 = tpu.concatenate %broadcast_in_dim3A_61, %slice3A_62 in 1 : vector<136x32xf32>, vector<136x96xf32> -> vector<136x128xf32>
    %add3A_64 = arith.addf %add3A_59, %concatenate3A_63 : vector<136x128xf32>
    %broadcast_in_dim3A_65 = arith.constant 0.000000e+00 : f32
    %broadcast_in_dim3A_66 = vector.broadcast %broadcast_in_dim3A_65 : f32 to vector<136x64xf32>
    %slice3A_67 = vector.extract_strided_slice %add3A_64 {offsets = [0, 0], sizes = [136, 64], strides = [1, 1]} : vector<136x128xf32> to vector<136x64xf32>
    %concatenate3A_68 = tpu.concatenate %broadcast_in_dim3A_66, %slice3A_67 in 1 : vector<136x64xf32>, vector<136x64xf32> -> vector<136x128xf32>
    %add3A_69 = arith.addf %add3A_64, %concatenate3A_68 : vector<136x128xf32>
    %slice3A_70 = vector.extract_strided_slice %add3A_69 {offsets = [0, 127], sizes = [136, 1], strides = [1, 1]} : vector<136x128xf32> to vector<136x1xf32>
    %broadcast_in_dim3A_71 = arith.constant 0.000000e+00 : f32
    %broadcast_in_dim3A_72 = vector.broadcast %broadcast_in_dim3A_71 : f32 to vector<1x1xf32>
    %slice3A_73 = vector.extract_strided_slice %slice3A_70 {offsets = [0, 0], sizes = [135, 1], strides = [1, 1]} : vector<136x1xf32> to vector<135x1xf32>
    %concatenate3A_74 = tpu.concatenate %broadcast_in_dim3A_72, %slice3A_73 in 0 : vector<1x1xf32>, vector<135x1xf32> -> vector<136x1xf32>
    %add3A_75 = arith.addf %slice3A_70, %concatenate3A_74 : vector<136x1xf32>
    %broadcast_in_dim3A_76 = arith.constant 0.000000e+00 : f32
    %broadcast_in_dim3A_77 = vector.broadcast %broadcast_in_dim3A_76 : f32 to vector<2x1xf32>
    %slice3A_78 = vector.extract_strided_slice %add3A_75 {offsets = [0, 0], sizes = [134, 1], strides = [1, 1]} : vector<136x1xf32> to vector<134x1xf32>
    %concatenate3A_79 = tpu.concatenate %broadcast_in_dim3A_77, %slice3A_78 in 0 : vector<2x1xf32>, vector<134x1xf32> -> vector<136x1xf32>
    %add3A_80 = arith.addf %add3A_75, %concatenate3A_79 : vector<136x1xf32>
    %broadcast_in_dim3A_81 = arith.constant 0.000000e+00 : f32
    %broadcast_in_dim3A_82 = vector.broadcast %broadcast_in_dim3A_81 : f32 to vector<4x1xf32>
    %slice3A_83 = vector.extract_strided_slice %add3A_80 {offsets = [0, 0], sizes = [132, 1], strides = [1, 1]} : vector<136x1xf32> to vector<132x1xf32>
    %concatenate3A_84 = tpu.concatenate %broadcast_in_dim3A_82, %slice3A_83 in 0 : vector<4x1xf32>, vector<132x1xf32> -> vector<136x1xf32>
    %add3A_85 = arith.addf %add3A_80, %concatenate3A_84 : vector<136x1xf32>
    %broadcast_in_dim3A_86 = arith.constant 0.000000e+00 : f32
    %broadcast_in_dim3A_87 = vector.broadcast %broadcast_in_dim3A_86 : f32 to vector<8x1xf32>
    %slice3A_88 = vector.extract_strided_slice %add3A_85 {offsets = [0, 0], sizes = [128, 1], strides = [1, 1]} : vector<136x1xf32> to vector<128x1xf32>
    %concatenate3A_89 = tpu.concatenate %broadcast_in_dim3A_87, %slice3A_88 in 0 : vector<8x1xf32>, vector<128x1xf32> -> vector<136x1xf32>
    %add3A_90 = arith.addf %add3A_85, %concatenate3A_89 : vector<136x1xf32>
    %broadcast_in_dim3A_91 = arith.constant 0.000000e+00 : f32
    %broadcast_in_dim3A_92 = vector.broadcast %broadcast_in_dim3A_91 : f32 to vector<16x1xf32>
    %slice3A_93 = vector.extract_strided_slice %add3A_90 {offsets = [0, 0], sizes = [120, 1], strides = [1, 1]} : vector<136x1xf32> to vector<120x1xf32>
    %concatenate3A_94 = tpu.concatenate %broadcast_in_dim3A_92, %slice3A_93 in 0 : vector<16x1xf32>, vector<120x1xf32> -> vector<136x1xf32>
    %add3A_95 = arith.addf %add3A_90, %concatenate3A_94 : vector<136x1xf32>
    %broadcast_in_dim3A_96 = arith.constant 0.000000e+00 : f32
    %broadcast_in_dim3A_97 = vector.broadcast %broadcast_in_dim3A_96 : f32 to vector<32x1xf32>
    %slice3A_98 = vector.extract_strided_slice %add3A_95 {offsets = [0, 0], sizes = [104, 1], strides = [1, 1]} : vector<136x1xf32> to vector<104x1xf32>
    %concatenate3A_99 = tpu.concatenate %broadcast_in_dim3A_97, %slice3A_98 in 0 : vector<32x1xf32>, vector<104x1xf32> -> vector<136x1xf32>
    %add3A_100 = arith.addf %add3A_95, %concatenate3A_99 : vector<136x1xf32>
    %broadcast_in_dim3A_101 = arith.constant 0.000000e+00 : f32
    %broadcast_in_dim3A_102 = vector.broadcast %broadcast_in_dim3A_101 : f32 to vector<64x1xf32>
    %slice3A_103 = vector.extract_strided_slice %add3A_100 {offsets = [0, 0], sizes = [72, 1], strides = [1, 1]} : vector<136x1xf32> to vector<72x1xf32>
    %concatenate3A_104 = tpu.concatenate %broadcast_in_dim3A_102, %slice3A_103 in 0 : vector<64x1xf32>, vector<72x1xf32> -> vector<136x1xf32>
    %add3A_105 = arith.addf %add3A_100, %concatenate3A_104 : vector<136x1xf32>
    %broadcast_in_dim3A_106 = arith.constant 0.000000e+00 : f32
    %broadcast_in_dim3A_107 = vector.broadcast %broadcast_in_dim3A_106 : f32 to vector<128x1xf32>
    %slice3A_108 = vector.extract_strided_slice %add3A_105 {offsets = [0, 0], sizes = [8, 1], strides = [1, 1]} : vector<136x1xf32> to vector<8x1xf32>
    %concatenate3A_109 = tpu.concatenate %broadcast_in_dim3A_107, %slice3A_108 in 0 : vector<128x1xf32>, vector<8x1xf32> -> vector<136x1xf32>
    %add3A_110 = arith.addf %add3A_105, %concatenate3A_109 : vector<136x1xf32>
    %sub3A = arith.subf %add3A_110, %slice3A_70 : vector<136x1xf32>
    %add3A_111 = vector.broadcast %sub3A : vector<136x1xf32> to vector<136x128xf32>
    %add3A_112 = arith.addf %add3A_69, %add3A_111 : vector<136x128xf32>
    %le3A = arith.constant 0x49E66668 : f32
    %le3A_113 = vector.broadcast %le3A : f32 to vector<136x128xf32>
    %le3A_114 = arith.cmpf ole, %add3A_112, %le3A_113 : vector<136x128xf32>
    %and3A_115 = arith.andi %le3A_114, %eq3A_8 : vector<136x128xi1>
    %convert_element_type3A = arith.extui %and3A_115 : vector<136x128xi1> to vector<136x128xi32>
    %reduce_sum3A_116 = vector.shape_cast %convert_element_type3A : vector<136x128xi32> to vector<1x136x128xi32>
    %reduce_sum3A_117 = arith.constant dense<0> : vector<1xi32>
    %reduce_sum3A_118 = vector.multi_reduction <add>, %reduce_sum3A_116, %reduce_sum3A_117 [1, 2] : vector<1x136x128xi32> to vector<1xi32>
    %reduce_sum3A_119 = vector.shape_cast %reduce_sum3A_118 : vector<1xi32> to vector<1x1x1xi32>
    %reduce_sum3A_120 = vector.extract %reduce_sum3A_119[0, 0, 0] : i32 from vector<1x1x1xi32>
    %lt3A = vector.broadcast %reduce_sum3A_120 : i32 to vector<136x128xi32>
    %lt3A_121 = arith.cmpi slt, %add3A, %lt3A : vector<136x128xi32>
    %eq3A_122 = vector.broadcast %reduce_sum3A_120 : i32 to vector<136x128xi32>
    %eq3A_123 = arith.cmpi eq, %add3A, %eq3A_122 : vector<136x128xi32>
    %jit3A = arith.constant 0.000000e+00 : f32
    %broadcast_in_dim3A_124 = vector.broadcast %jit3A : f32 to vector<136x128xf32>
    %select_n3A = arith.select %lt3A_121, %reduce_sum3A_29, %broadcast_in_dim3A_124 : vector<136x128xi1>, vector<136x128xf32>
    %reduce_sum3A_125 = vector.shape_cast %select_n3A : vector<136x128xf32> to vector<1x136x128xf32>
    %reduce_sum3A_126 = arith.constant dense<0.000000e+00> : vector<1xf32>
    %reduce_sum3A_127 = vector.multi_reduction <add>, %reduce_sum3A_125, %reduce_sum3A_126 [1, 2] : vector<1x136x128xf32> to vector<1xf32>
    %reduce_sum3A_128 = vector.shape_cast %reduce_sum3A_127 : vector<1xf32> to vector<1x1x1xf32>
    %reduce_sum3A_129 = vector.extract %reduce_sum3A_128[0, 0, 0] : f32 from vector<1x1x1xf32>
    %jit3A_130 = arith.constant 0.000000e+00 : f32
    %broadcast_in_dim3A_131 = vector.broadcast %jit3A_130 : f32 to vector<136x128xf32>
    %select_n3A_132 = arith.select %eq3A_123, %reduce_sum3A_29, %broadcast_in_dim3A_131 : vector<136x128xi1>, vector<136x128xf32>
    %reduce_sum3A_133 = vector.shape_cast %select_n3A_132 : vector<136x128xf32> to vector<1x136x128xf32>
    %reduce_sum3A_134 = arith.constant dense<0.000000e+00> : vector<1xf32>
    %reduce_sum3A_135 = vector.multi_reduction <add>, %reduce_sum3A_133, %reduce_sum3A_134 [1, 2] : vector<1x136x128xf32> to vector<1xf32>
    %reduce_sum3A_136 = vector.shape_cast %reduce_sum3A_135 : vector<1xf32> to vector<1x1x1xf32>
    %reduce_sum3A_137 = vector.extract %reduce_sum3A_136[0, 0, 0] : f32 from vector<1x1x1xf32>
    %jit3A_138 = arith.constant 0.000000e+00 : f32
    %broadcast_in_dim3A_139 = vector.broadcast %jit3A_138 : f32 to vector<136x128xf32>
    %select_n3A_140 = arith.select %eq3A_123, %reduce_sum3A_37, %broadcast_in_dim3A_139 : vector<136x128xi1>, vector<136x128xf32>
    %reduce_sum3A_141 = vector.shape_cast %select_n3A_140 : vector<136x128xf32> to vector<1x136x128xf32>
    %reduce_sum3A_142 = arith.constant dense<0.000000e+00> : vector<1xf32>
    %reduce_sum3A_143 = vector.multi_reduction <add>, %reduce_sum3A_141, %reduce_sum3A_142 [1, 2] : vector<1x136x128xf32> to vector<1xf32>
    %reduce_sum3A_144 = vector.shape_cast %reduce_sum3A_143 : vector<1xf32> to vector<1x1x1xf32>
    %reduce_sum3A_145 = vector.extract %reduce_sum3A_144[0, 0, 0] : f32 from vector<1x1x1xf32>
    %and3A_146 = arith.andi %eq3A_123, %eq3A_14 : vector<136x128xi1>
    %jit3A_147 = arith.constant 0.000000e+00 : f32
    %broadcast_in_dim3A_148 = vector.broadcast %jit3A_147 : f32 to vector<136x128xf32>
    %select_n3A_149 = arith.select %and3A_146, %bitcast_convert_type3A, %broadcast_in_dim3A_148 : vector<136x128xi1>, vector<136x128xf32>
    %reduce_sum3A_150 = vector.shape_cast %select_n3A_149 : vector<136x128xf32> to vector<1x136x128xf32>
    %reduce_sum3A_151 = arith.constant dense<0.000000e+00> : vector<1xf32>
    %reduce_sum3A_152 = vector.multi_reduction <add>, %reduce_sum3A_150, %reduce_sum3A_151 [1, 2] : vector<1x136x128xf32> to vector<1xf32>
    %reduce_sum3A_153 = vector.shape_cast %reduce_sum3A_152 : vector<1xf32> to vector<1x1x1xf32>
    %reduce_sum3A_154 = vector.extract %reduce_sum3A_153[0, 0, 0] : f32 from vector<1x1x1xf32>
    %and3A_155 = arith.andi %eq3A_123, %eq3A_14 : vector<136x128xi1>
    %jit3A_156 = arith.constant 0.000000e+00 : f32
    %broadcast_in_dim3A_157 = vector.broadcast %jit3A_156 : f32 to vector<136x128xf32>
    %select_n3A_158 = arith.select %and3A_155, %bitcast_convert_type3A_23, %broadcast_in_dim3A_157 : vector<136x128xi1>, vector<136x128xf32>
    %reduce_sum3A_159 = vector.shape_cast %select_n3A_158 : vector<136x128xf32> to vector<1x136x128xf32>
    %reduce_sum3A_160 = arith.constant dense<0.000000e+00> : vector<1xf32>
    %reduce_sum3A_161 = vector.multi_reduction <add>, %reduce_sum3A_159, %reduce_sum3A_160 [1, 2] : vector<1x136x128xf32> to vector<1xf32>
    %reduce_sum3A_162 = vector.shape_cast %reduce_sum3A_161 : vector<1xf32> to vector<1x1x1xf32>
    %reduce_sum3A_163 = vector.extract %reduce_sum3A_162[0, 0, 0] : f32 from vector<1x1x1xf32>
    %gt3A = vector.broadcast %reduce_sum3A_120 : i32 to vector<136x128xi32>
    %gt3A_164 = arith.cmpi sgt, %add3A, %gt3A : vector<136x128xi32>
    %jit3A_165 = arith.constant 0.000000e+00 : f32
    %broadcast_in_dim3A_166 = vector.broadcast %jit3A_165 : f32 to vector<136x128xf32>
    %select_n3A_167 = arith.select %gt3A_164, %reduce_sum3A_37, %broadcast_in_dim3A_166 : vector<136x128xi1>, vector<136x128xf32>
    %reduce_sum3A_168 = vector.shape_cast %select_n3A_167 : vector<136x128xf32> to vector<1x136x128xf32>
    %reduce_sum3A_169 = arith.constant dense<0.000000e+00> : vector<1xf32>
    %reduce_sum3A_170 = vector.multi_reduction <add>, %reduce_sum3A_168, %reduce_sum3A_169 [1, 2] : vector<1x136x128xf32> to vector<1xf32>
    %reduce_sum3A_171 = vector.shape_cast %reduce_sum3A_170 : vector<1xf32> to vector<1x1x1xf32>
    %reduce_sum3A_172 = vector.extract %reduce_sum3A_171[0, 0, 0] : f32 from vector<1x1x1xf32>
    %sub3A_173 = arith.constant 0x4A000000 : f32
    %sub3A_174 = arith.subf %sub3A_173, %reduce_sum3A_129 : f32
    %sub3A_175 = arith.subf %sub3A_174, %reduce_sum3A_137 : f32
    %sub3A_176 = arith.constant 2.097150e+05 : f32
    %sub3A_177 = arith.subf %sub3A_176, %sub3A_175 : f32
    %max3A = arith.constant 1.000000e+00 : f32
    %max3A_178 = arith.maximumf %reduce_sum3A_137, %max3A : f32
    %div3A = arith.divf %reduce_sum3A_145, %max3A_178 : f32
    %sub3A_179 = arith.subf %reduce_sum3A_163, %div3A : f32
    %sub3A_180 = arith.subf %div3A, %reduce_sum3A_154 : f32
    %min3A = arith.minimumf %sub3A_179, %sub3A_180 : f32
    %max3A_181 = arith.constant 0.000000e+00 : f32
    %max3A_182 = arith.maximumf %min3A, %max3A_181 : f32
    %div3A_183 = arith.divf %sub3A_177, %max3A_178 : f32
    %sub3A_184 = arith.constant 1.000000e+00 : f32
    %sub3A_185 = arith.subf %sub3A_184, %div3A_183 : f32
    %mul3A_186 = arith.mulf %max3A_182, %sub3A_185 : f32
    %add3A_187 = arith.addf %div3A, %mul3A_186 : f32
    %mul3A_188 = arith.mulf %sub3A_177, %add3A_187 : f32
    %add3A_189 = arith.addf %reduce_sum3A_172, %mul3A_188 : f32
    %div3A_190 = arith.constant 2.097150e+05 : f32
    %div3A_191 = arith.divf %add3A_189, %div3A_190 : f32
    %add3A_192 = arith.constant 0.000000e+00 : f32
    %add3A_193 = arith.addf %add3A_192, %div3A_191 : f32
    %get3A_194 = arith.constant 1 : index
    %get3A_195 = arith.constant 0 : index
    %get3A_196 = arith.constant 0 : index
    %get3A_197 = arith.constant 0 : index
    %get3A_198 = vector.load %arg0[%get3A_194, %get3A_195, %get3A_196, %get3A_197] : memref<2x16x136x128xf32, #tpu.memory_space<vmem>>, vector<1x16x136x128xf32>
    %get3A_199 = vector.shape_cast %get3A_198 : vector<1x16x136x128xf32> to vector<16x136x128xf32>
    %reduce_sum3A_200 = arith.constant dense<0.000000e+00> : vector<136x128xf32>
    %reduce_sum3A_201 = vector.multi_reduction <add>, %get3A_199, %reduce_sum3A_200 [0] : vector<16x136x128xf32> to vector<136x128xf32>
    %get3A_202 = arith.constant 1 : index
    %get3A_203 = arith.constant 0 : index
    %get3A_204 = arith.constant 0 : index
    %get3A_205 = arith.constant 0 : index
    %get3A_206 = vector.load %arg1[%get3A_202, %get3A_203, %get3A_204, %get3A_205] : memref<2x16x136x128xf32, #tpu.memory_space<vmem>>, vector<1x16x136x128xf32>
    %get3A_207 = vector.shape_cast %get3A_206 : vector<1x16x136x128xf32> to vector<16x136x128xf32>
    %reduce_sum3A_208 = arith.constant dense<0.000000e+00> : vector<136x128xf32>
    %reduce_sum3A_209 = vector.multi_reduction <add>, %get3A_207, %reduce_sum3A_208 [0] : vector<16x136x128xf32> to vector<136x128xf32>
    %broadcast_in_dim3A_210 = arith.constant 0.000000e+00 : f32
    %broadcast_in_dim3A_211 = vector.broadcast %broadcast_in_dim3A_210 : f32 to vector<136x1xf32>
    %slice3A_212 = vector.extract_strided_slice %reduce_sum3A_201 {offsets = [0, 0], sizes = [136, 127], strides = [1, 1]} : vector<136x128xf32> to vector<136x127xf32>
    %concatenate3A_213 = tpu.concatenate %broadcast_in_dim3A_211, %slice3A_212 in 1 : vector<136x1xf32>, vector<136x127xf32> -> vector<136x128xf32>
    %add3A_214 = arith.addf %reduce_sum3A_201, %concatenate3A_213 : vector<136x128xf32>
    %broadcast_in_dim3A_215 = arith.constant 0.000000e+00 : f32
    %broadcast_in_dim3A_216 = vector.broadcast %broadcast_in_dim3A_215 : f32 to vector<136x2xf32>
    %slice3A_217 = vector.extract_strided_slice %add3A_214 {offsets = [0, 0], sizes = [136, 126], strides = [1, 1]} : vector<136x128xf32> to vector<136x126xf32>
    %concatenate3A_218 = tpu.concatenate %broadcast_in_dim3A_216, %slice3A_217 in 1 : vector<136x2xf32>, vector<136x126xf32> -> vector<136x128xf32>
    %add3A_219 = arith.addf %add3A_214, %concatenate3A_218 : vector<136x128xf32>
    %broadcast_in_dim3A_220 = arith.constant 0.000000e+00 : f32
    %broadcast_in_dim3A_221 = vector.broadcast %broadcast_in_dim3A_220 : f32 to vector<136x4xf32>
    %slice3A_222 = vector.extract_strided_slice %add3A_219 {offsets = [0, 0], sizes = [136, 124], strides = [1, 1]} : vector<136x128xf32> to vector<136x124xf32>
    %concatenate3A_223 = tpu.concatenate %broadcast_in_dim3A_221, %slice3A_222 in 1 : vector<136x4xf32>, vector<136x124xf32> -> vector<136x128xf32>
    %add3A_224 = arith.addf %add3A_219, %concatenate3A_223 : vector<136x128xf32>
    %broadcast_in_dim3A_225 = arith.constant 0.000000e+00 : f32
    %broadcast_in_dim3A_226 = vector.broadcast %broadcast_in_dim3A_225 : f32 to vector<136x8xf32>
    %slice3A_227 = vector.extract_strided_slice %add3A_224 {offsets = [0, 0], sizes = [136, 120], strides = [1, 1]} : vector<136x128xf32> to vector<136x120xf32>
    %concatenate3A_228 = tpu.concatenate %broadcast_in_dim3A_226, %slice3A_227 in 1 : vector<136x8xf32>, vector<136x120xf32> -> vector<136x128xf32>
    %add3A_229 = arith.addf %add3A_224, %concatenate3A_228 : vector<136x128xf32>
    %broadcast_in_dim3A_230 = arith.constant 0.000000e+00 : f32
    %broadcast_in_dim3A_231 = vector.broadcast %broadcast_in_dim3A_230 : f32 to vector<136x16xf32>
    %slice3A_232 = vector.extract_strided_slice %add3A_229 {offsets = [0, 0], sizes = [136, 112], strides = [1, 1]} : vector<136x128xf32> to vector<136x112xf32>
    %concatenate3A_233 = tpu.concatenate %broadcast_in_dim3A_231, %slice3A_232 in 1 : vector<136x16xf32>, vector<136x112xf32> -> vector<136x128xf32>
    %add3A_234 = arith.addf %add3A_229, %concatenate3A_233 : vector<136x128xf32>
    %broadcast_in_dim3A_235 = arith.constant 0.000000e+00 : f32
    %broadcast_in_dim3A_236 = vector.broadcast %broadcast_in_dim3A_235 : f32 to vector<136x32xf32>
    %slice3A_237 = vector.extract_strided_slice %add3A_234 {offsets = [0, 0], sizes = [136, 96], strides = [1, 1]} : vector<136x128xf32> to vector<136x96xf32>
    %concatenate3A_238 = tpu.concatenate %broadcast_in_dim3A_236, %slice3A_237 in 1 : vector<136x32xf32>, vector<136x96xf32> -> vector<136x128xf32>
    %add3A_239 = arith.addf %add3A_234, %concatenate3A_238 : vector<136x128xf32>
    %broadcast_in_dim3A_240 = arith.constant 0.000000e+00 : f32
    %broadcast_in_dim3A_241 = vector.broadcast %broadcast_in_dim3A_240 : f32 to vector<136x64xf32>
    %slice3A_242 = vector.extract_strided_slice %add3A_239 {offsets = [0, 0], sizes = [136, 64], strides = [1, 1]} : vector<136x128xf32> to vector<136x64xf32>
    %concatenate3A_243 = tpu.concatenate %broadcast_in_dim3A_241, %slice3A_242 in 1 : vector<136x64xf32>, vector<136x64xf32> -> vector<136x128xf32>
    %add3A_244 = arith.addf %add3A_239, %concatenate3A_243 : vector<136x128xf32>
    %slice3A_245 = vector.extract_strided_slice %add3A_244 {offsets = [0, 127], sizes = [136, 1], strides = [1, 1]} : vector<136x128xf32> to vector<136x1xf32>
    %broadcast_in_dim3A_246 = arith.constant 0.000000e+00 : f32
    %broadcast_in_dim3A_247 = vector.broadcast %broadcast_in_dim3A_246 : f32 to vector<1x1xf32>
    %slice3A_248 = vector.extract_strided_slice %slice3A_245 {offsets = [0, 0], sizes = [135, 1], strides = [1, 1]} : vector<136x1xf32> to vector<135x1xf32>
    %concatenate3A_249 = tpu.concatenate %broadcast_in_dim3A_247, %slice3A_248 in 0 : vector<1x1xf32>, vector<135x1xf32> -> vector<136x1xf32>
    %add3A_250 = arith.addf %slice3A_245, %concatenate3A_249 : vector<136x1xf32>
    %broadcast_in_dim3A_251 = arith.constant 0.000000e+00 : f32
    %broadcast_in_dim3A_252 = vector.broadcast %broadcast_in_dim3A_251 : f32 to vector<2x1xf32>
    %slice3A_253 = vector.extract_strided_slice %add3A_250 {offsets = [0, 0], sizes = [134, 1], strides = [1, 1]} : vector<136x1xf32> to vector<134x1xf32>
    %concatenate3A_254 = tpu.concatenate %broadcast_in_dim3A_252, %slice3A_253 in 0 : vector<2x1xf32>, vector<134x1xf32> -> vector<136x1xf32>
    %add3A_255 = arith.addf %add3A_250, %concatenate3A_254 : vector<136x1xf32>
    %broadcast_in_dim3A_256 = arith.constant 0.000000e+00 : f32
    %broadcast_in_dim3A_257 = vector.broadcast %broadcast_in_dim3A_256 : f32 to vector<4x1xf32>
    %slice3A_258 = vector.extract_strided_slice %add3A_255 {offsets = [0, 0], sizes = [132, 1], strides = [1, 1]} : vector<136x1xf32> to vector<132x1xf32>
    %concatenate3A_259 = tpu.concatenate %broadcast_in_dim3A_257, %slice3A_258 in 0 : vector<4x1xf32>, vector<132x1xf32> -> vector<136x1xf32>
    %add3A_260 = arith.addf %add3A_255, %concatenate3A_259 : vector<136x1xf32>
    %broadcast_in_dim3A_261 = arith.constant 0.000000e+00 : f32
    %broadcast_in_dim3A_262 = vector.broadcast %broadcast_in_dim3A_261 : f32 to vector<8x1xf32>
    %slice3A_263 = vector.extract_strided_slice %add3A_260 {offsets = [0, 0], sizes = [128, 1], strides = [1, 1]} : vector<136x1xf32> to vector<128x1xf32>
    %concatenate3A_264 = tpu.concatenate %broadcast_in_dim3A_262, %slice3A_263 in 0 : vector<8x1xf32>, vector<128x1xf32> -> vector<136x1xf32>
    %add3A_265 = arith.addf %add3A_260, %concatenate3A_264 : vector<136x1xf32>
    %broadcast_in_dim3A_266 = arith.constant 0.000000e+00 : f32
    %broadcast_in_dim3A_267 = vector.broadcast %broadcast_in_dim3A_266 : f32 to vector<16x1xf32>
    %slice3A_268 = vector.extract_strided_slice %add3A_265 {offsets = [0, 0], sizes = [120, 1], strides = [1, 1]} : vector<136x1xf32> to vector<120x1xf32>
    %concatenate3A_269 = tpu.concatenate %broadcast_in_dim3A_267, %slice3A_268 in 0 : vector<16x1xf32>, vector<120x1xf32> -> vector<136x1xf32>
    %add3A_270 = arith.addf %add3A_265, %concatenate3A_269 : vector<136x1xf32>
    %broadcast_in_dim3A_271 = arith.constant 0.000000e+00 : f32
    %broadcast_in_dim3A_272 = vector.broadcast %broadcast_in_dim3A_271 : f32 to vector<32x1xf32>
    %slice3A_273 = vector.extract_strided_slice %add3A_270 {offsets = [0, 0], sizes = [104, 1], strides = [1, 1]} : vector<136x1xf32> to vector<104x1xf32>
    %concatenate3A_274 = tpu.concatenate %broadcast_in_dim3A_272, %slice3A_273 in 0 : vector<32x1xf32>, vector<104x1xf32> -> vector<136x1xf32>
    %add3A_275 = arith.addf %add3A_270, %concatenate3A_274 : vector<136x1xf32>
    %broadcast_in_dim3A_276 = arith.constant 0.000000e+00 : f32
    %broadcast_in_dim3A_277 = vector.broadcast %broadcast_in_dim3A_276 : f32 to vector<64x1xf32>
    %slice3A_278 = vector.extract_strided_slice %add3A_275 {offsets = [0, 0], sizes = [72, 1], strides = [1, 1]} : vector<136x1xf32> to vector<72x1xf32>
    %concatenate3A_279 = tpu.concatenate %broadcast_in_dim3A_277, %slice3A_278 in 0 : vector<64x1xf32>, vector<72x1xf32> -> vector<136x1xf32>
    %add3A_280 = arith.addf %add3A_275, %concatenate3A_279 : vector<136x1xf32>
    %broadcast_in_dim3A_281 = arith.constant 0.000000e+00 : f32
    %broadcast_in_dim3A_282 = vector.broadcast %broadcast_in_dim3A_281 : f32 to vector<128x1xf32>
    %slice3A_283 = vector.extract_strided_slice %add3A_280 {offsets = [0, 0], sizes = [8, 1], strides = [1, 1]} : vector<136x1xf32> to vector<8x1xf32>
    %concatenate3A_284 = tpu.concatenate %broadcast_in_dim3A_282, %slice3A_283 in 0 : vector<128x1xf32>, vector<8x1xf32> -> vector<136x1xf32>
    %add3A_285 = arith.addf %add3A_280, %concatenate3A_284 : vector<136x1xf32>
    %sub3A_286 = arith.subf %add3A_285, %slice3A_245 : vector<136x1xf32>
    %add3A_287 = vector.broadcast %sub3A_286 : vector<136x1xf32> to vector<136x128xf32>
    %add3A_288 = arith.addf %add3A_244, %add3A_287 : vector<136x128xf32>
    %le3A_289 = arith.constant 0x49E66668 : f32
    %le3A_290 = vector.broadcast %le3A_289 : f32 to vector<136x128xf32>
    %le3A_291 = arith.cmpf ole, %add3A_288, %le3A_290 : vector<136x128xf32>
    %and3A_292 = arith.andi %le3A_291, %eq3A_8 : vector<136x128xi1>
    %convert_element_type3A_293 = arith.extui %and3A_292 : vector<136x128xi1> to vector<136x128xi32>
    %reduce_sum3A_294 = vector.shape_cast %convert_element_type3A_293 : vector<136x128xi32> to vector<1x136x128xi32>
    %reduce_sum3A_295 = arith.constant dense<0> : vector<1xi32>
    %reduce_sum3A_296 = vector.multi_reduction <add>, %reduce_sum3A_294, %reduce_sum3A_295 [1, 2] : vector<1x136x128xi32> to vector<1xi32>
    %reduce_sum3A_297 = vector.shape_cast %reduce_sum3A_296 : vector<1xi32> to vector<1x1x1xi32>
    %reduce_sum3A_298 = vector.extract %reduce_sum3A_297[0, 0, 0] : i32 from vector<1x1x1xi32>
    %lt3A_299 = vector.broadcast %reduce_sum3A_298 : i32 to vector<136x128xi32>
    %lt3A_300 = arith.cmpi slt, %add3A, %lt3A_299 : vector<136x128xi32>
    %eq3A_301 = vector.broadcast %reduce_sum3A_298 : i32 to vector<136x128xi32>
    %eq3A_302 = arith.cmpi eq, %add3A, %eq3A_301 : vector<136x128xi32>
    %jit3A_303 = arith.constant 0.000000e+00 : f32
    %broadcast_in_dim3A_304 = vector.broadcast %jit3A_303 : f32 to vector<136x128xf32>
    %select_n3A_305 = arith.select %lt3A_300, %reduce_sum3A_201, %broadcast_in_dim3A_304 : vector<136x128xi1>, vector<136x128xf32>
    %reduce_sum3A_306 = vector.shape_cast %select_n3A_305 : vector<136x128xf32> to vector<1x136x128xf32>
    %reduce_sum3A_307 = arith.constant dense<0.000000e+00> : vector<1xf32>
    %reduce_sum3A_308 = vector.multi_reduction <add>, %reduce_sum3A_306, %reduce_sum3A_307 [1, 2] : vector<1x136x128xf32> to vector<1xf32>
    %reduce_sum3A_309 = vector.shape_cast %reduce_sum3A_308 : vector<1xf32> to vector<1x1x1xf32>
    %reduce_sum3A_310 = vector.extract %reduce_sum3A_309[0, 0, 0] : f32 from vector<1x1x1xf32>
    %jit3A_311 = arith.constant 0.000000e+00 : f32
    %broadcast_in_dim3A_312 = vector.broadcast %jit3A_311 : f32 to vector<136x128xf32>
    %select_n3A_313 = arith.select %eq3A_302, %reduce_sum3A_201, %broadcast_in_dim3A_312 : vector<136x128xi1>, vector<136x128xf32>
    %reduce_sum3A_314 = vector.shape_cast %select_n3A_313 : vector<136x128xf32> to vector<1x136x128xf32>
    %reduce_sum3A_315 = arith.constant dense<0.000000e+00> : vector<1xf32>
    %reduce_sum3A_316 = vector.multi_reduction <add>, %reduce_sum3A_314, %reduce_sum3A_315 [1, 2] : vector<1x136x128xf32> to vector<1xf32>
    %reduce_sum3A_317 = vector.shape_cast %reduce_sum3A_316 : vector<1xf32> to vector<1x1x1xf32>
    %reduce_sum3A_318 = vector.extract %reduce_sum3A_317[0, 0, 0] : f32 from vector<1x1x1xf32>
    %jit3A_319 = arith.constant 0.000000e+00 : f32
    %broadcast_in_dim3A_320 = vector.broadcast %jit3A_319 : f32 to vector<136x128xf32>
    %select_n3A_321 = arith.select %eq3A_302, %reduce_sum3A_209, %broadcast_in_dim3A_320 : vector<136x128xi1>, vector<136x128xf32>
    %reduce_sum3A_322 = vector.shape_cast %select_n3A_321 : vector<136x128xf32> to vector<1x136x128xf32>
    %reduce_sum3A_323 = arith.constant dense<0.000000e+00> : vector<1xf32>
    %reduce_sum3A_324 = vector.multi_reduction <add>, %reduce_sum3A_322, %reduce_sum3A_323 [1, 2] : vector<1x136x128xf32> to vector<1xf32>
    %reduce_sum3A_325 = vector.shape_cast %reduce_sum3A_324 : vector<1xf32> to vector<1x1x1xf32>
    %reduce_sum3A_326 = vector.extract %reduce_sum3A_325[0, 0, 0] : f32 from vector<1x1x1xf32>
    %and3A_327 = arith.andi %eq3A_302, %eq3A_14 : vector<136x128xi1>
    %jit3A_328 = arith.constant 0.000000e+00 : f32
    %broadcast_in_dim3A_329 = vector.broadcast %jit3A_328 : f32 to vector<136x128xf32>
    %select_n3A_330 = arith.select %and3A_327, %bitcast_convert_type3A, %broadcast_in_dim3A_329 : vector<136x128xi1>, vector<136x128xf32>
    %reduce_sum3A_331 = vector.shape_cast %select_n3A_330 : vector<136x128xf32> to vector<1x136x128xf32>
    %reduce_sum3A_332 = arith.constant dense<0.000000e+00> : vector<1xf32>
    %reduce_sum3A_333 = vector.multi_reduction <add>, %reduce_sum3A_331, %reduce_sum3A_332 [1, 2] : vector<1x136x128xf32> to vector<1xf32>
    %reduce_sum3A_334 = vector.shape_cast %reduce_sum3A_333 : vector<1xf32> to vector<1x1x1xf32>
    %reduce_sum3A_335 = vector.extract %reduce_sum3A_334[0, 0, 0] : f32 from vector<1x1x1xf32>
    %and3A_336 = arith.andi %eq3A_302, %eq3A_14 : vector<136x128xi1>
    %jit3A_337 = arith.constant 0.000000e+00 : f32
    %broadcast_in_dim3A_338 = vector.broadcast %jit3A_337 : f32 to vector<136x128xf32>
    %select_n3A_339 = arith.select %and3A_336, %bitcast_convert_type3A_23, %broadcast_in_dim3A_338 : vector<136x128xi1>, vector<136x128xf32>
    %reduce_sum3A_340 = vector.shape_cast %select_n3A_339 : vector<136x128xf32> to vector<1x136x128xf32>
    %reduce_sum3A_341 = arith.constant dense<0.000000e+00> : vector<1xf32>
    %reduce_sum3A_342 = vector.multi_reduction <add>, %reduce_sum3A_340, %reduce_sum3A_341 [1, 2] : vector<1x136x128xf32> to vector<1xf32>
    %reduce_sum3A_343 = vector.shape_cast %reduce_sum3A_342 : vector<1xf32> to vector<1x1x1xf32>
    %reduce_sum3A_344 = vector.extract %reduce_sum3A_343[0, 0, 0] : f32 from vector<1x1x1xf32>
    %gt3A_345 = vector.broadcast %reduce_sum3A_298 : i32 to vector<136x128xi32>
    %gt3A_346 = arith.cmpi sgt, %add3A, %gt3A_345 : vector<136x128xi32>
    %jit3A_347 = arith.constant 0.000000e+00 : f32
    %broadcast_in_dim3A_348 = vector.broadcast %jit3A_347 : f32 to vector<136x128xf32>
    %select_n3A_349 = arith.select %gt3A_346, %reduce_sum3A_209, %broadcast_in_dim3A_348 : vector<136x128xi1>, vector<136x128xf32>
    %reduce_sum3A_350 = vector.shape_cast %select_n3A_349 : vector<136x128xf32> to vector<1x136x128xf32>
    %reduce_sum3A_351 = arith.constant dense<0.000000e+00> : vector<1xf32>
    %reduce_sum3A_352 = vector.multi_reduction <add>, %reduce_sum3A_350, %reduce_sum3A_351 [1, 2] : vector<1x136x128xf32> to vector<1xf32>
    %reduce_sum3A_353 = vector.shape_cast %reduce_sum3A_352 : vector<1xf32> to vector<1x1x1xf32>
    %reduce_sum3A_354 = vector.extract %reduce_sum3A_353[0, 0, 0] : f32 from vector<1x1x1xf32>
    %sub3A_355 = arith.constant 0x4A000000 : f32
    %sub3A_356 = arith.subf %sub3A_355, %reduce_sum3A_310 : f32
    %sub3A_357 = arith.subf %sub3A_356, %reduce_sum3A_318 : f32
    %sub3A_358 = arith.constant 2.097150e+05 : f32
    %sub3A_359 = arith.subf %sub3A_358, %sub3A_357 : f32
    %max3A_360 = arith.constant 1.000000e+00 : f32
    %max3A_361 = arith.maximumf %reduce_sum3A_318, %max3A_360 : f32
    %div3A_362 = arith.divf %reduce_sum3A_326, %max3A_361 : f32
    %sub3A_363 = arith.subf %reduce_sum3A_344, %div3A_362 : f32
    %sub3A_364 = arith.subf %div3A_362, %reduce_sum3A_335 : f32
    %min3A_365 = arith.minimumf %sub3A_363, %sub3A_364 : f32
    %max3A_366 = arith.constant 0.000000e+00 : f32
    %max3A_367 = arith.maximumf %min3A_365, %max3A_366 : f32
    %div3A_368 = arith.divf %sub3A_359, %max3A_361 : f32
    %sub3A_369 = arith.constant 1.000000e+00 : f32
    %sub3A_370 = arith.subf %sub3A_369, %div3A_368 : f32
    %mul3A_371 = arith.mulf %max3A_367, %sub3A_370 : f32
    %add3A_372 = arith.addf %div3A_362, %mul3A_371 : f32
    %mul3A_373 = arith.mulf %sub3A_359, %add3A_372 : f32
    %add3A_374 = arith.addf %reduce_sum3A_354, %mul3A_373 : f32
    %div3A_375 = arith.constant 2.097150e+05 : f32
    %div3A_376 = arith.divf %add3A_374, %div3A_375 : f32
    %add3A_377 = arith.addf %add3A_193, %div3A_376 : f32
    %mul3A_378 = arith.constant 5.000000e-01 : f32
    %mul3A_379 = arith.mulf %add3A_377, %mul3A_378 : f32
    %swap3A = arith.constant 0 : index
    %swap3A_380 = arith.constant 0 : index
    %swap3A_381 = memref.load %arg2[%swap3A, %swap3A_380] : memref<1x1xf32, #tpu.memory_space<smem>>
    memref.store %mul3A_379, %arg2[%swap3A, %swap3A_380] : memref<1x1xf32, #tpu.memory_space<smem>>
    return
  }
}

</mosaic_0001>

<sc_bundles>
// kernel: kernel.5.cloned.1.call-start
scs
__scs_entry_jumppad:
0x0: {  	(pc) =	sbr.rel $0x88, $3  }
0x1: {  	(tag) =	ssettag $0x0;
	lr =	simm.s32 $0x1  }
0x2: {  	[smem:$0x3F9F] =	sst lr;
	_ =	strace $0xD0000000  }
0x3: {  	_ = 	snop  }
0x4: {  	_ = 	snop  }
0x5: {  	_ = 	snop  }
0x6: {  	_ = 	snop  }
0x7: {  	_ = 	snop  }
__scs_overlays_trampoline_lowered:
0x8: {  	[smem:$0x3FAE] =	sst s0  }
0x9: {  	[smem:$0x3FAF] =	sst s1  }
0xa: {  	[smem:$0x3FB0] =	sst s2  }
0xb: {  	[smem:$0x3FB1] =	sst s3  }
0xc: {  	[smem:$0x3FB2] =	sst s4  }
0xd: {  	[smem:$0x3FB3] =	sst s5  }
0xe: {  	[smem:$0x3FB4] =	sst s6  }
0xf: {  	[smem:$0x3FB5] =	sst s7  }
0x10: {  	[smem:$0x3FB6] =	sst s8  }
0x11: {  	[smem:$0x3FB7] =	sst s9;
	s0 =	simm.s32 @!p0 $0x0  }
0x12: {  	s1 =	sld [smem:$0x3F9D];
	s0 =	simm.s32 @p0 $0x1  }
0x13: {  	[smem:$0x3FB8] =	sst s0;
	s0 =	simm.s32 @!p1 $0x0  }
0x14: {  	s2 =	sld [smem:$0x3F9C];
	s0 =	simm.s32 @p1 $0x1  }
0x15: {  	[smem:$0x3FB9] =	sst s0;
	s0 =	simm.s32 @!p2 $0x0  }
0x16: {  	s3 =	sld [smem:$0x3FDB];
	s0 =	simm.s32 @p2 $0x1  }
0x17: {  	s4 =	simm.s32 $0x1BF5;
	[smem:$0x3FBB] =	sst s0  }
0x18: {  	s0 =	sld [smem:$0x3F9E];
	_ =	swait.ge [sflag:s4], $0x0  }
0x19: {  	s7 =	sld [smem:$0x3F9F]  }
0x1a: {  	s8 =	sadd.s32 $0xFFFFE003, lr  }
0x1b: {  	s9 =	sadd.s32 $0xFFFFFEF7, lr;
	s5 =	simm.s32 $0xFFFFFFFF;
	p2 =	slt.u32 s8, $0xFFFFF086  }
0x1c: {  	p1 =	slt.u32 s9, $0xF7A;
	s5 =	simm.s32 @!p2 $0x0  }
0x1d: {  	s5 =	simm.s32 @p1 $0x1;
	p0 =	seq.s32 s7, s2  }
0x1e: {  	s7 =	smul.u32 @!p0 $0xF7A, s2;
	p2 =	seq.s32 @!p0 s5, $0x0  }
0x1f: {  	s9 =	smul.u32 $0xF7A, s1;
	s8 =	simm.s32 @!p0 $0x1BF5;
	p2 =	por !p2, p0  }
0x20: {  	[sflag:s8] =	ssyncset.s32 @!p0 $0xFFFFF086;
	s6 =	sadd.s32 @!p0 s3, s7;
	s7 =	simm.s32 @!p0 $0x108  }
0x21: {  	s3 =	sadd.s32 s3, s9;
	s6 =	sadd.s32 @!p0 $0x88, s6;
	s7 =	simm.s32 @p2 $0x1082  }
0x22: {  	[simem:s7], [sflag:s8] =	dma.local @!p0 [hbm:s6], $0xF7A  }
0x23: {  	s9 =	sor.u32 $0xD0000000, s2;
	s6 =	simm.s32 $0x108;
	_ =	swait.ge @!p0 [sflag:s8], $0x0  }
0x24: {  	s3 =	sadd.s32 $0x88, s3;
	s6 =	simm.s32 @!p1 $0x1082;
	[sflag:s4] =	ssyncset.s32 $0xFFFFF086  }
0x25: {  	[simem:s6], [sflag:s4] =	dma.local [hbm:s3], $0xF7A  }
0x26: {  	[smem:$0x3F9F] =	sst s1;
	(tag) =	ssettag s2;
	_ =	strace s9  }
0x27: {  	s1 =	sld [smem:$0x3FAF]  }
0x28: {  	s2 =	sld [smem:$0x3FB0]  }
0x29: {  	s4 =	sld [smem:$0x3FB2]  }
0x2a: {  	p0 =	seq.s32 s5, $0x0;
	s5 =	sld [smem:$0x3FB3]  }
0x2b: {  	s6 =	sld [smem:$0x3FB4]  }
0x2c: {  	s7 =	sld [smem:$0x3FB5]  }
0x2d: {  	s3 =	simm.s32 $0x108;
	s8 =	sld [smem:$0x3FB6]  }
0x2e: {  	s3 =	simm.s32 @!p0 $0x1082;
	s9 =	sld [smem:$0x3FB7]  }
0x2f: {  	lr =	sadd.s32 s0, s3;
	s0 =	sld [smem:$0x3FAE]  }
0x30: {  	s3 =	sld [smem:$0x3FB1]  }
0x31: {  	[smem:$0x3FBA] =	sst s10  }
0x32: {  	s10 =	sld [smem:$0x3FB8];
	_ =	sdelay $0x3  }
0x33: {  	p0 =	seq.s32 s10, $0x1;
	s10 =	sld [smem:$0x3FBA];
	_ =	sdelay $0x3  }
0x34: {  	[smem:$0x3FBA] =	sst s10  }
0x35: {  	s10 =	sld [smem:$0x3FB9];
	_ =	sdelay $0x3  }
0x36: {  	p1 =	seq.s32 s10, $0x1;
	s10 =	sld [smem:$0x3FBA];
	_ =	sdelay $0x3  }
0x37: {  	[smem:$0x3FBA] =	sst s10  }
0x38: {  	s10 =	sld [smem:$0x3FBB]  }
0x39: {  	_ = 	snop;
	(pc) =	sbr.ind lr, $3  }
0x3a: {  	_ = 	snop  }
0x3b: {  	_ = 	snop  }
0x3c: {  	p2 =	seq.s32 s10, $0x1;
	s10 =	sld [smem:$0x3FBA]  }
0x3d: {  	_ =	shalt  }
0x3e: {  	_ =	shalt  }
0x3f: {  	_ =	shalt  }
0x40: {  	_ =	shalt  }
0x41: {  	_ =	shalt  }
0x42: {  	_ =	shalt  }
0x43: {  	_ =	shalt  }
0x44: {  	_ =	shalt  }
0x45: {  	_ =	shalt  }
0x46: {  	_ =	shalt  }
0x47: {  	_ =	shalt  }
0x48: {  	_ =	shalt  }
0x49: {  	_ =	shalt  }
0x4a: {  	_ =	shalt  }
0x4b: {  	_ =	shalt  }
0x4c: {  	_ =	shalt  }
0x4d: {  	_ =	shalt  }
0x4e: {  	_ =	shalt  }
0x4f: {  	_ =	shalt  }
0x50: {  	_ =	shalt  }
0x51: {  	_ =	shalt  }
0x52: {  	_ =	shalt  }
0x53: {  	_ =	shalt  }
0x54: {  	_ =	shalt  }
0x55: {  	_ =	shalt  }
0x56: {  	_ =	shalt  }
0x57: {  	_ =	shalt  }
0x58: {  	_ =	shalt  }
0x59: {  	_ =	shalt  }
0x5a: {  	_ =	shalt  }
0x5b: {  	_ =	shalt  }
0x5c: {  	_ =	shalt  }
0x5d: {  	_ =	shalt  }
0x5e: {  	_ =	shalt  }
0x5f: {  	_ =	shalt  }
0x60: {  	_ =	shalt  }
0x61: {  	_ =	shalt  }
0x62: {  	_ =	shalt  }
0x63: {  	_ =	shalt  }
0x64: {  	_ =	shalt  }
0x65: {  	_ =	shalt  }
0x66: {  	_ =	shalt  }
0x67: {  	_ =	shalt  }
0x68: {  	_ =	shalt  }
0x69: {  	_ =	shalt  }
0x6a: {  	_ =	shalt  }
0x6b: {  	_ =	shalt  }
0x6c: {  	_ =	shalt  }
0x6d: {  	_ =	shalt  }
0x6e: {  	_ =	shalt  }
0x6f: {  	_ =	shalt  }
0x70: {  	_ =	shalt  }
0x71: {  	_ =	shalt  }
0x72: {  	_ =	shalt  }
0x73: {  	_ =	shalt  }
0x74: {  	_ =	shalt  }
0x75: {  	_ =	shalt  }
0x76: {  	_ =	shalt  }
0x77: {  	_ =	shalt  }
0x78: {  	_ =	shalt  }
0x79: {  	_ =	shalt  }
0x7a: {  	_ =	shalt  }
0x7b: {  	_ =	shalt  }
0x7c: {  	_ =	shalt  }
0x7d: {  	_ =	shalt  }
0x7e: {  	_ =	shalt  }
0x7f: {  	_ =	shalt  }
0x80: {  	_ =	shalt  }
0x81: {  	_ =	shalt  }
0x82: {  	_ =	shalt  }
0x83: {  	_ =	shalt  }
0x84: {  	_ =	shalt  }
0x85: {  	_ =	shalt  }
0x86: {  	_ =	shalt  }
0x87: {  	_ =	shalt  }
.Lfunc_end0:
.L_simem_size_0:
called_computation_lowered:
.L_overlay_start_0:
0x88: {  	s2 =	sld [smem:$0x3FD9]  }
0x89: {  	s3 =	sld [smem:$0x3FFE];
	_ =	sdelay $0x1  }
0x8a: {  	s1 =	srdreg.scid  }
0x8b: {  	s0 =	sand.u32 $0x1, s1  }
0x8c: {  	s16 =	sshll.u32 s0, $0xA;
	s2 =	sadd.s32 s3, s2  }
0x8d: {  	s2 =	sadd.s32 s2, s16  }
0x8e: {  	[smem:$0x3FC6] =	sst s2  }
0x8f: {  	_ = 	snop  }
0x90: {  	(tm) =	ssettm $0x1  }
0x91: {  	s17 =	sld [smem:$0x3FFB];
	_ =	sdelay $0x3  }
0x92: {  	_ =	strace s17  }
0x93: {  	s2 =	sld [smem:$0x3FFC];
	_ =	sdelay $0x3  }
0x94: {  	_ =	strace s2  }
0x95: {  	s2 =	sld [smem:$0x3FFD];
	_ =	sdelay $0x3  }
0x96: {  	_ =	strace s2  }
0x97: {  	_ =	strace $0x8FFFFFFF  }
0x98: {  	s18 =	sld [smem:$0x3FDB];
	_ =	sdelay $0x1  }
0x99: {  	s19 =	simm.s32 $_scs_section_size  }
0x9a: {  	s4 =	simm.s32 $_size__tile_overlayer_lowered;
	s5 =	simm.s32 $_tile_overlayer_lowered  }
0x9b: {  	s22 =	simm.s32 $0x1BFF;
	s21 =	sshll.u32 s5, $0x1;
	s2 =	sadd.s32 s19, s18  }
0x9c: {  	s6 =	simm.s32 $0x0;
	s20 =	sshll.u32 s4, $0x1;
	s4 =	sadd.s32 s21, s2  }
0x9d: {  	[timem:s6], [sflag:s22] =	dma.local [hbm:s4], s20  }
0x9e: {  	_ =	swait.ge [sflag:s22], s20  }
0x9f: {  	s3 =	ssub.s32 $0x0, s20;
	[sflag:s22] =	ssyncset.done $0x0  }
0xa0: {  	[sflag:s22] =	ssyncadd.s32 s3;
	_ =	sdelay $0x1  }
0xa1: {  	s23 =	simm.s32 $0x1B8B  }
0xa2: {  	_ =	swait.ge [sflag:s23], $0x1  }
0xa3: {  	[sflag:s23] =	ssyncset.done $0x0  }
0xa4: {  	s25 =	simm.s32 $0x1B8E;
	s24 =	sld [smem:$0x3FFE];
	[sflag:s23] =	ssyncadd.s32 $0xFFFFFFFF  }
0xa5: {  	s26 =	simm.s32 $execute0_lowered;
	[smem:$0x3FD2] =	sst s25  }
0xa6: {  	s4 =	sshll.u32 s26, $0x1;
	_ =	strace $0x80000046;
	[dreg:$0x1] =	wrdreg $0xFFFFFFFF  }
0xa7: {  	s28 =	simm.s32 $_size_execute0_lowered;
	s2 =	sadd.s32 s2, s4;
	[dreg:$0x0] =	wrdreg $0x0  }
0xa8: {  	s4 =	sshll.u32 s28, $0x1;
	[dreg:$0x2] =	wrdreg s2  }
0xa9: {  	[dreg:$0x3] =	wrdreg s4  }
0xaa: {  	[dreg:$0x4] =	wrdreg $0xC0  }
0xab: {  	_ =	task [dreg:s6], $0x5FFFF  }
0xac: {  	[dreg:$0x1] =	wrdreg $0xFFFFFFFF  }
0xad: {  	[dreg:$0x0] =	wrdreg $0x60  }
0xae: {  	[dreg:$0x2] =	wrdreg s24  }
0xaf: {  	[dreg:$0x3] =	wrdreg $0x9  }
0xb0: {  	_ =	task.clear_ibuf [dreg:s6], $0x4FFFF;
	_ =	strace $0x90000046  }
0xb1: {  	s29 =	simm.s32 $0x9;
	_ =	strace $0x80000048  }
0xb2: {  	_ =	swait.ge [sflag:s29], $0x1  }
0xb3: {  	[sflag:s29] =	ssyncadd.s32 $0xFFFFFFFF  }
0xb4: {  	_ =	strace $0x90000048  }
0xb5: {  	_ =	sfence  }
0xb6: {  	s30 =	sld [smem:$0x0];
	_ =	sdelay $0x2  }
0xb7: {  	s31 =	sshll.u32 s1, $0xD;
	s1 =	sshrl.u32 s1, $0x2  }
0xb8: {  	s3 =	sand.u32 $0x4000, s31;
	s1 =	sadd.s32 s1, s30  }
0xb9: {  	s0 =	sor.u32 s3, s0;
	s1 =	sshll.u32 s1, $0x11  }
0xba: {  	s0 =	sor.u32 s1, s0  }
0xbb: {  	s0 =	sadd.s32 $0x8F2B, s0  }
0xbc: {  	[sflag:s0] =	ssyncadd.remote.s32 $0x1  }
0xbd: {  	_ =	sfence.sel $0xFFFF  }
0xbe: {  	[dreg:$0x0] =	wrdreg $0xFFFFFFFF;
	(pc) =	sbr.abs _section_cstart, $3  }
0xbf: {  	[dreg:$0x1] =	wrdreg $0xFFFFFFFF  }
0xc0: {  	_ =	task.clear_ibuf [dreg:s6], $0x2FFFF;
	_ =	strace $0x9FFFFFFF  }
0xc1: {  	(tm) =	ssettm $0x7FFFFFFF  }
tec
execute0_lowered:
.L_overlay_start_1:
0x0: {  	(tag) =	ssettag $0x1  }
0x1: {  	s1 =	srdreg.scid  }
0x2: {  	s0 =	stileid.u32;
	s4 =	rddreg [dreg:$0x0]  }
0x3: {  	s2 =	simm.s32 $0x0;
	s7 =	simm.s32 $0x44000;
	s11 =	simm.s32 $0x11000  }
0x4: {  	s12 =	simm.s32 $0x15000;
	s13 =	simm.s32 $0x1;
	s14 =	simm.s32 $0x4400  }
0x5: {  	s15 =	simm.s32 $0x8800;
	s16 =	simm.s32 $0xCC00;
	s17 =	simm.s32 $0x2  }
0x6: {  	s18 =	simm.s32 $0x3;
	s19 =	simm.s32 $0x0;
	s5 =	sand.u32 $0x1, s1  }
0x7: {  	s3 =	sshll.u32 s0, $0x1;
	s1 =	rddreg [dreg:$0x1];
	s28 =	sand.u32 $0x1, s0  }
0x8: {  	s29 =	sand.u32 $0xE, s0;
	[smem:$0x7FF] =	sst s2;
	s6 =	sor.u32 s5, s3  }
0x9: {  	p1 =	seq.s32 s5, $0x1;
	s3 =	sor.u32 s5, s29;
	p0 =	seq.s32 s6, $0x0  }
0xa: {  	_ =	strace $0x80000047;
	p0 =	por !p0, !p1;
	p1 =	seq.s32 s28, $0x1  }
0xb: {  	s5 =	ssub.s32 $0x2, s5;
	p0 =	por !p0, !p0;
	p2 =	por !p1, !p1  }
0xc: {  	s3 =	smul.u32 $0x4400, s3;
	s30 =	sshrl.u32 s5, $0x1;
	p2 =	por @!p0 p1, p1  }
0xd: {  	s31 =	sshll.u32 s6, $0xE;
	s8 =	sshll.u32 s6, $0x11;
	s7 =	simm.s32 @!p2 $0x0  }
0xe: {  	s10 =	ssub.s32 s5, s30;
	s6 =	sor.u32 $0x8000, s8;
	s7 =	sadd.s32 s3, s7  }
0xf: {  	s10 =	smax.u32 s10, $0x1;
	s3 =	sadd.s32 $0xE00, s4;
	s7 =	sshrl.u32 s7, $0x3  }
0x10: {  	s9 =	sadd.s32 s7, s4;
	s4 =	sadd.s32 s3, s31;
	s7 =	sor.u32 $0xC000, s8  }
0x11: {  	v0 =	vimm.f32 $0.0e+00;
	v1 =	vlaneseq.u32;
	v2 =	vimm.f32 $1.000000000e+00;
	s5 =	sadd.s32 $0x800, s4;
	s8 =	sadd.s32 $0x80E00, s9;
	s9 =	sadd.s32 $0x91E00, s9  }
.LBB2_1:
0x12: {  	[tilespmem:s11], [sflag:$0x1] =	stream.linear.gather [hbm4b:s4+s2], $0x4000, $0x38;
	[tilespmem:$0x19000] =	vst v63  }
0x13: {  	s23 =	simm.s32 $0x40  }
0x14: {  	[tilespmem:s12], [sflag:$0x2] =	stream.linear.gather [hbm4b:s5+s2], $0x4000, $0x38;
	[tilespmem:$0x19000] =	vst v63  }
0x15: {  	[tilespmem:s23+$0x30] =	vst v0  }
0x16: {  	[tilespmem:s23+$0xFFFFFFE0] =	vst v0  }
0x17: {  	[tilespmem:s23+$0xFFFFFFF0] =	vst v0  }
0x18: {  	[tilespmem:s23+$0x0] =	vst v0  }
0x19: {  	[tilespmem:s23+$0xFFFFFFC0] =	vst v0  }
0x1a: {  	[tilespmem:s23+$0x10] =	vst v0  }
0x1b: {  	[tilespmem:s23+$0x20] =	vst v0  }
0x1c: {  	s22 =	simm.s32 $0x4440;
	[tilespmem:s23+$0xFFFFFFD0] =	vst v0  }
0x1d: {  	[tilespmem:s22+$0x30] =	vst v0  }
0x1e: {  	[tilespmem:s22+$0xFFFFFFC0] =	vst v0  }
0x1f: {  	[tilespmem:s22+$0x10] =	vst v0  }
0x20: {  	[tilespmem:s22+$0xFFFFFFD0] =	vst v0  }
0x21: {  	[tilespmem:s22+$0x20] =	vst v0  }
0x22: {  	[tilespmem:s22+$0x0] =	vst v0  }
0x23: {  	s21 =	simm.s32 $0x8840;
	[tilespmem:s22+$0xFFFFFFF0] =	vst v0  }
0x24: {  	[tilespmem:s21+$0x30] =	vst v0  }
0x25: {  	[tilespmem:s21+$0xFFFFFFC0] =	vst v0  }
0x26: {  	[tilespmem:s21+$0x10] =	vst v0  }
0x27: {  	[tilespmem:s21+$0xFFFFFFD0] =	vst v0  }
0x28: {  	[tilespmem:s21+$0x20] =	vst v0  }
0x29: {  	[tilespmem:s21+$0x0] =	vst v0  }
0x2a: {  	s24 =	simm.s32 $0xCC40;
	[tilespmem:s21+$0xFFFFFFF0] =	vst v0  }
0x2b: {  	[tilespmem:s24+$0x30] =	vst v0  }
0x2c: {  	[tilespmem:s24+$0xFFFFFFC0] =	vst v0  }
0x2d: {  	[tilespmem:s24+$0x10] =	vst v0  }
0x2e: {  	[tilespmem:s24+$0xFFFFFFD0] =	vst v0  }
0x2f: {  	s25 =	simm.s32 $0x0;
	s26 =	simm.s32 $0x88C0;
	s28 =	simm.s32 $0xCCC0;
	[tilespmem:s24+$0x20] =	vst v0  }
.LBB2_2:
0x30: {  	s25 =	sadd.s32 $0x8, s25;
	[tilespmem:s22+$0xFFFFFFE0] =	vst v0;
	s23 =	sadd.s32 $0x80, s23;
	s22 =	sadd.s32 $0x80, s22  }
0x31: {  	[tilespmem:s23+$0x30] =	vst v0;
	p0 =	slt.u32 s25, $0x438  }
0x32: {  	[tilespmem:s22+$0x30] =	vst v0  }
0x33: {  	[tilespmem:s26+$0x30] =	vst v0  }
0x34: {  	[tilespmem:s24+$0xFFFFFFF0] =	vst v0  }
0x35: {  	[tilespmem:s24+$0x0] =	vst v0  }
0x36: {  	[tilespmem:s21+$0xFFFFFFE0] =	vst v0;
	s21 =	smov.u32 s26  }
0x37: {  	[tilespmem:s24+$0xFFFFFFE0] =	vst v0;
	s24 =	smov.u32 s28  }
0x38: {  	[tilespmem:s28+$0x30] =	vst v0  }
0x39: {  	[tilespmem:s23+$0xFFFFFFE0] =	vst v0  }
0x3a: {  	[tilespmem:s23+$0xFFFFFFF0] =	vst v0  }
0x3b: {  	[tilespmem:s23+$0x0] =	vst v0  }
0x3c: {  	[tilespmem:s23+$0xFFFFFFC0] =	vst v0  }
0x3d: {  	[tilespmem:s22+$0xFFFFFFC0] =	vst v0  }
0x3e: {  	[tilespmem:s26+$0xFFFFFFC0] =	vst v0  }
0x3f: {  	[tilespmem:s28+$0xFFFFFFC0] =	vst v0  }
0x40: {  	[tilespmem:s23+$0x10] =	vst v0  }
0x41: {  	[tilespmem:s22+$0x10] =	vst v0  }
0x42: {  	[tilespmem:s26+$0x10] =	vst v0  }
0x43: {  	[tilespmem:s28+$0x10] =	vst v0  }
0x44: {  	[tilespmem:s23+$0x20] =	vst v0  }
0x45: {  	[tilespmem:s23+$0xFFFFFFD0] =	vst v0  }
0x46: {  	[tilespmem:s22+$0xFFFFFFD0] =	vst v0  }
0x47: {  	[tilespmem:s26+$0xFFFFFFD0] =	vst v0  }
0x48: {  	[tilespmem:s28+$0xFFFFFFD0] =	vst v0  }
0x49: {  	[tilespmem:s22+$0x20] =	vst v0  }
0x4a: {  	[tilespmem:s26+$0x20] =	vst v0  }
.Ltmp0:
0x4b: {  	[tilespmem:s28+$0x20] =	vst v0;
	(pc) =	sbr.rel @p0 .LBB2_2-.Ltmp0, $4  }
0x4c: {  	[tilespmem:s22+$0x0] =	vst v0  }
0x4d: {  	[tilespmem:s26+$0x0] =	vst v0  }
0x4e: {  	[tilespmem:s22+$0xFFFFFFF0] =	vst v0  }
0x4f: {  	s20 =	simm.s32 $0x0;
	s28 =	sadd.s32 $0x80, s28;
	s26 =	sadd.s32 $0x80, s26;
	[tilespmem:s21+$0xFFFFFFF0] =	vst v0  }
0x50: {  	[tilespmem:s22+$0xFFFFFFE0] =	vst v0  }
0x51: {  	[tilespmem:s24+$0xFFFFFFF0] =	vst v0  }
0x52: {  	[tilespmem:s24+$0x0] =	vst v0  }
0x53: {  	[tilespmem:s21+$0xFFFFFFE0] =	vst v0  }
0x54: {  	[tilespmem:s24+$0xFFFFFFE0] =	vst v0  }
.LBB2_4:
0x55: {  	_ =	swait.ge [sflag:s13], $0x4000  }
0x56: {  	[sflag:s13] =	ssyncset.done $0x0  }
0x57: {  	s22 =	simm.s32 $0x11040;
	[sflag:s13] =	ssyncadd.s32 $0xFFFFC000  }
0x58: {  	v3 =	vld [tilespmem:s22+$0x20];
	_ =	sdelay $0x2  }
0x59: {  	v4 =	vld [tilespmem:s22+$0xFFFFFFC0];
	_ =	sdelay $0x1  }
0x5a: {  	v5 =	vshrl.u32 v3, $0x14  }
0x5b: {  	v6 =	vld [tilespmem:s22+$0xFFFFFFE0];
	v5 =	vmin.u32 v5, $0x43F  }
0x5c: {  	v5 =	vshll.u32 v5, $0x4  }
0x5d: {  	v7 =	vshrl.u32 v4, $0x14;
	v5 =	vor.u32 v1, v5  }
0x5e: {  	v8 =	vld [tilespmem:s22+$0x0];
	v7 =	vmin.u32 v7, $0x43F  }
0x5f: {  	v7 =	vshll.u32 v7, $0x4  }
0x60: {  	v9 =	vshrl.u32 v6, $0x14;
	v7 =	vor.u32 v1, v7  }
0x61: {  	v9 =	vmin.u32 v9, $0x43F  }
0x62: {  	v9 =	vshll.u32 v9, $0x4;
	[tilespmem:v5+s2+$0x0] =	vst.idx.add.f32.msk $0xffff, v2  }
0x63: {  	v10 =	vshrl.u32 v8, $0x14;
	v9 =	vor.u32 v1, v9;
	[tilespmem:v5+s14+$0x0] =	vst.idx.add.f32.msk $0xffff, v3  }
0x64: {  	v3 =	vmin.u32 v10, $0x43F;
	v10 =	vld [tilespmem:s22+$0x30]  }
0x65: {  	[tilespmem:v7+s2+$0x0] =	vst.idx.add.f32.msk $0xffff, v2  }
0x66: {  	s21 =	simm.s32 $0x110C0;
	[tilespmem:v7+s14+$0x0] =	vst.idx.add.f32.msk $0xffff, v4;
	v3 =	vshll.u32 v3, $0x4  }
0x67: {  	v7 =	vld [tilespmem:s21+$0x20];
	v3 =	vor.u32 v1, v3  }
0x68: {  	[tilespmem:v9+s2+$0x0] =	vst.idx.add.f32.msk $0xffff, v2  }
0x69: {  	[tilespmem:v9+s14+$0x0] =	vst.idx.add.f32.msk $0xffff, v6;
	v4 =	vshrl.u32 v10, $0x14  }
0x6a: {  	v6 =	vld [tilespmem:s21+$0xFFFFFFC0];
	v4 =	vmin.u32 v4, $0x43F  }
0x6b: {  	v9 =	vld [tilespmem:s21+$0xFFFFFFE0];
	v4 =	vshll.u32 v4, $0x4  }
0x6c: {  	v5 =	vshrl.u32 v7, $0x14;
	[tilespmem:v3+s2+$0x0] =	vst.idx.add.f32.msk $0xffff, v2;
	v4 =	vor.u32 v1, v4  }
0x6d: {  	[tilespmem:v3+s14+$0x0] =	vst.idx.add.f32.msk $0xffff, v8;
	v3 =	vmin.u32 v5, $0x43F  }
0x6e: {  	v8 =	vld [tilespmem:s21+$0x0];
	v5 =	vshll.u32 v3, $0x4  }
0x6f: {  	v11 =	vshrl.u32 v6, $0x14;
	v3 =	vld [tilespmem:s22+$0xFFFFFFD0];
	v12 =	vor.u32 v1, v5  }
0x70: {  	v11 =	vmin.u32 v11, $0x43F;
	v5 =	vld [tilespmem:s22+$0xFFFFFFF0]  }
0x71: {  	v13 =	vshrl.u32 v9, $0x14;
	v11 =	vshll.u32 v11, $0x4;
	[tilespmem:v4+s15+$0x0] =	vst.idx.add.f32.msk $0xffff, v2  }
0x72: {  	[tilespmem:v4+s16+$0x0] =	vst.idx.add.f32.msk $0xffff, v10;
	v10 =	vmin.u32 v13, $0x43F;
	v13 =	vor.u32 v1, v11  }
0x73: {  	v4 =	vld [tilespmem:s22+$0x10];
	v11 =	vshrl.u32 v8, $0x14;
	v10 =	vshll.u32 v10, $0x4  }
0x74: {  	[tilespmem:v12+s2+$0x0] =	vst.idx.add.f32.msk $0xffff, v2;
	v11 =	vmin.u32 v11, $0x43F;
	v10 =	vor.u32 v1, v10  }
0x75: {  	[tilespmem:v12+s14+$0x0] =	vst.idx.add.f32.msk $0xffff, v7;
	v11 =	vshll.u32 v11, $0x4  }
0x76: {  	v7 =	vor.u32 v1, v11;
	v11 =	vld [tilespmem:s21+$0x30]  }
0x77: {  	[tilespmem:v13+s2+$0x0] =	vst.idx.add.f32.msk $0xffff, v2  }
0x78: {  	v12 =	vshrl.u32 v3, $0x14;
	[tilespmem:v13+s14+$0x0] =	vst.idx.add.f32.msk $0xffff, v6  }
0x79: {  	v6 =	vmin.u32 v12, $0x43F;
	[tilespmem:v10+s2+$0x0] =	vst.idx.add.f32.msk $0xffff, v2  }
0x7a: {  	v12 =	vshrl.u32 v5, $0x14;
	v6 =	vshll.u32 v6, $0x4;
	[tilespmem:v10+s14+$0x0] =	vst.idx.add.f32.msk $0xffff, v9  }
0x7b: {  	v9 =	vmin.u32 v12, $0x43F;
	v10 =	vshrl.u32 v4, $0x14;
	[tilespmem:v7+s2+$0x0] =	vst.idx.add.f32.msk $0xffff, v2;
	v12 =	vshrl.u32 v11, $0x14  }
0x7c: {  	v9 =	vshll.u32 v9, $0x4;
	v10 =	vmin.u32 v10, $0x43F;
	[tilespmem:v7+s14+$0x0] =	vst.idx.add.f32.msk $0xffff, v8;
	v7 =	vmin.u32 v12, $0x43F  }
0x7d: {  	v8 =	vor.u32 v1, v6;
	v6 =	vshll.u32 v10, $0x4;
	v10 =	vld [tilespmem:s21+$0xFFFFFFD0];
	v12 =	vshll.u32 v7, $0x4  }
0x7e: {  	s23 =	simm.s32 $0x11140;
	s22 =	simm.s32 $0x4;
	v7 =	vor.u32 v1, v9;
	v9 =	vld [tilespmem:s21+$0xFFFFFFF0];
	v6 =	vor.u32 v1, v6;
	v12 =	vor.u32 v1, v12  }
.LBB2_5:
0x7f: {  	v13 =	vld [tilespmem:s23+$0x20]  }
0x80: {  	v14 =	vld [tilespmem:s23+$0xFFFFFFE0]  }
0x81: {  	s22 =	sadd.s32 $0x4, s22;
	v15 =	vld [tilespmem:s23+$0x0]  }
0x82: {  	p0 =	slt.u32 s22, $0x1FC;
	v16 =	vld [tilespmem:s23+$0xFFFFFFC0];
	v17 =	vshrl.u32 v10, $0x14  }
0x83: {  	v17 =	vmin.u32 v17, $0x43F;
	v18 =	vshrl.u32 v9, $0x14;
	[tilespmem:v12+s15+$0x0] =	vst.idx.add.f32.msk $0xffff, v2  }
0x84: {  	v19 =	vshrl.u32 v13, $0x14;
	v17 =	vshll.u32 v17, $0x4;
	v18 =	vmin.u32 v18, $0x43F;
	[tilespmem:v12+s16+$0x0] =	vst.idx.add.f32.msk $0xffff, v11  }
0x85: {  	v11 =	vshrl.u32 v14, $0x14;
	v12 =	vmin.u32 v19, $0x43F;
	v18 =	vshll.u32 v18, $0x4;
	v19 =	vld [tilespmem:s21+$0x10];
	s21 =	smov.u32 s23  }
0x86: {  	v11 =	vmin.u32 v11, $0x43F;
	v20 =	vshrl.u32 v15, $0x14;
	v12 =	vshll.u32 v12, $0x4;
	[tilespmem:v8+s15+$0x0] =	vst.idx.add.f32.msk $0xffff, v2  }
0x87: {  	v21 =	vshrl.u32 v16, $0x14;
	v20 =	vmin.u32 v20, $0x43F;
	v12 =	vor.u32 v1, v12;
	[tilespmem:v8+s16+$0x0] =	vst.idx.add.f32.msk $0xffff, v3;
	v3 =	vmovc v10  }
0x88: {  	v10 =	vshll.u32 v11, $0x4;
	v8 =	vmin.u32 v21, $0x43F;
	v11 =	vshll.u32 v20, $0x4;
	[tilespmem:v7+s15+$0x0] =	vst.idx.add.f32.msk $0xffff, v2  }
0x89: {  	v10 =	vor.u32 v1, v10;
	v8 =	vshll.u32 v8, $0x4;
	v20 =	vor.u32 v1, v11;
	[tilespmem:v7+s16+$0x0] =	vst.idx.add.f32.msk $0xffff, v5  }
0x8a: {  	v21 =	vor.u32 v1, v8;
	v8 =	vor.u32 v1, v17;
	v17 =	vshrl.u32 v19, $0x14;
	[tilespmem:v6+s15+$0x0] =	vst.idx.add.f32.msk $0xffff, v2  }
0x8b: {  	v7 =	vor.u32 v1, v18;
	v5 =	vmovc v9;
	v11 =	vmin.u32 v17, $0x43F;
	[tilespmem:v6+s16+$0x0] =	vst.idx.add.f32.msk $0xffff, v4;
	v4 =	vmov v19  }
0x8c: {  	[tilespmem:v12+s2+$0x0] =	vst.idx.add.f32.msk $0xffff, v2;
	v6 =	vshll.u32 v11, $0x4  }
0x8d: {  	[tilespmem:v12+s14+$0x0] =	vst.idx.add.f32.msk $0xffff, v13;
	v6 =	vor.u32 v1, v6  }
0x8e: {  	v11 =	vld [tilespmem:s23+$0x30]  }
0x8f: {  	[tilespmem:v21+s2+$0x0] =	vst.idx.add.f32.msk $0xffff, v2  }
0x90: {  	[tilespmem:v21+s14+$0x0] =	vst.idx.add.f32.msk $0xffff, v16  }
0x91: {  	[tilespmem:v10+s2+$0x0] =	vst.idx.add.f32.msk $0xffff, v2  }
.Ltmp1:
0x92: {  	[tilespmem:v10+s14+$0x0] =	vst.idx.add.f32.msk $0xffff, v14;
	(pc) =	sbr.rel @p0 .LBB2_5-.Ltmp1, $4  }
0x93: {  	[tilespmem:v20+s2+$0x0] =	vst.idx.add.f32.msk $0xffff, v2;
	v9 =	vshrl.u32 v11, $0x14  }
0x94: {  	[tilespmem:v20+s14+$0x0] =	vst.idx.add.f32.msk $0xffff, v15;
	v9 =	vmin.u32 v9, $0x43F  }
0x95: {  	v10 =	vld [tilespmem:s23+$0xFFFFFFD0];
	v12 =	vshll.u32 v9, $0x4  }
0x96: {  	s23 =	sadd.s32 $0x80, s23;
	v9 =	vld [tilespmem:s21+$0xFFFFFFF0];
	v12 =	vor.u32 v1, v12  }
0x97: {  	_ =	sdelay $0x2  }
0x98: {  	v13 =	vld [tilespmem:s21+$0x10]  }
0x99: {  	[tilespmem:v12+s15+$0x0] =	vst.idx.add.f32.msk $0xffff, v2;
	v14 =	vshrl.u32 v10, $0x14  }
0x9a: {  	[tilespmem:v8+s15+$0x0] =	vst.idx.add.f32.msk $0xffff, v2;
	v14 =	vmin.u32 v14, $0x43F  }
0x9b: {  	[tilespmem:v12+s16+$0x0] =	vst.idx.add.f32.msk $0xffff, v11;
	v11 =	vshrl.u32 v9, $0x14;
	v12 =	vshll.u32 v14, $0x4  }
0x9c: {  	[tilespmem:v8+s16+$0x0] =	vst.idx.add.f32.msk $0xffff, v3;
	v11 =	vmin.u32 v11, $0x43F;
	v3 =	vor.u32 v1, v12  }
0x9d: {  	[tilespmem:v7+s15+$0x0] =	vst.idx.add.f32.msk $0xffff, v2;
	v8 =	vshll.u32 v11, $0x4;
	v11 =	vshrl.u32 v13, $0x14  }
0x9e: {  	[tilespmem:v7+s16+$0x0] =	vst.idx.add.f32.msk $0xffff, v5;
	v5 =	vor.u32 v1, v8;
	v7 =	vmin.u32 v11, $0x43F  }
0x9f: {  	[tilespmem:v6+s15+$0x0] =	vst.idx.add.f32.msk $0xffff, v2;
	v7 =	vshll.u32 v7, $0x4  }
0xa0: {  	[tilespmem:v6+s16+$0x0] =	vst.idx.add.f32.msk $0xffff, v4;
	v4 =	vor.u32 v1, v7  }
0xa1: {  	[tilespmem:v3+s15+$0x0] =	vst.idx.add.f32.msk $0xffff, v2  }
0xa2: {  	[tilespmem:v3+s16+$0x0] =	vst.idx.add.f32.msk $0xffff, v10  }
0xa3: {  	s21 =	sshll.u32 s20, $0xF;
	p0 =	seq.s32 s20, $0x3;
	[tilespmem:v5+s15+$0x0] =	vst.idx.add.f32.msk $0xffff, v2  }
0xa4: {  	s22 =	sadd.s32 @!p0 s21, s6;
	[tilespmem:v5+s16+$0x0] =	vst.idx.add.f32.msk $0xffff, v9  }
0xa5: {  	s22 =	sshrl.u32 @!p0 s22, $0x3;
	[tilespmem:v4+s15+$0x0] =	vst.idx.add.f32.msk $0xffff, v2  }
0xa6: {  	s23 =	simm.s32 @!p0 $0x0;
	s24 =	simm.s32 @!p0 $0x11000;
	s22 =	sadd.s32 @!p0 s3, s22;
	[tilespmem:v4+s16+$0x0] =	vst.idx.add.f32.msk $0xffff, v13  }
0xa7: {  	[tilespmem:s24], [sflag:$0x1] =	stream.linear.gather @!p0 [hbm4b:s22+s23], $0x4000, $0x38;
	[tilespmem:$0x19000] =	vst v63  }
0xa8: {  	_ =	swait.ge [sflag:s17], $0x4000  }
0xa9: {  	[sflag:s17] =	ssyncset.done $0x0  }
0xaa: {  	s31 =	simm.s32 $0x15040;
	[sflag:s17] =	ssyncadd.s32 $0xFFFFC000  }
0xab: {  	v3 =	vld [tilespmem:s31+$0x20];
	_ =	sdelay $0x2  }
0xac: {  	v4 =	vld [tilespmem:s31+$0xFFFFFFC0];
	_ =	sdelay $0x1  }
0xad: {  	v5 =	vshrl.u32 v3, $0x14  }
0xae: {  	v6 =	vld [tilespmem:s31+$0xFFFFFFE0];
	v5 =	vmin.u32 v5, $0x43F  }
0xaf: {  	v5 =	vshll.u32 v5, $0x4  }
0xb0: {  	v7 =	vshrl.u32 v4, $0x14;
	v5 =	vor.u32 v1, v5  }
0xb1: {  	v8 =	vld [tilespmem:s31+$0x0];
	v7 =	vmin.u32 v7, $0x43F  }
0xb2: {  	v7 =	vshll.u32 v7, $0x4  }
0xb3: {  	v9 =	vshrl.u32 v6, $0x14;
	v7 =	vor.u32 v1, v7  }
0xb4: {  	v9 =	vmin.u32 v9, $0x43F  }
0xb5: {  	v9 =	vshll.u32 v9, $0x4;
	[tilespmem:v5+s2+$0x0] =	vst.idx.add.f32.msk $0xffff, v2  }
0xb6: {  	v10 =	vshrl.u32 v8, $0x14;
	v9 =	vor.u32 v1, v9;
	[tilespmem:v5+s14+$0x0] =	vst.idx.add.f32.msk $0xffff, v3  }
0xb7: {  	v3 =	vmin.u32 v10, $0x43F;
	v10 =	vld [tilespmem:s31+$0x30]  }
0xb8: {  	[tilespmem:v7+s2+$0x0] =	vst.idx.add.f32.msk $0xffff, v2  }
0xb9: {  	s22 =	simm.s32 $0x150C0;
	[tilespmem:v7+s14+$0x0] =	vst.idx.add.f32.msk $0xffff, v4;
	v3 =	vshll.u32 v3, $0x4  }
0xba: {  	v7 =	vld [tilespmem:s22+$0x20];
	v3 =	vor.u32 v1, v3  }
0xbb: {  	[tilespmem:v9+s2+$0x0] =	vst.idx.add.f32.msk $0xffff, v2  }
0xbc: {  	[tilespmem:v9+s14+$0x0] =	vst.idx.add.f32.msk $0xffff, v6;
	v4 =	vshrl.u32 v10, $0x14  }
0xbd: {  	v6 =	vld [tilespmem:s22+$0xFFFFFFC0];
	v4 =	vmin.u32 v4, $0x43F  }
0xbe: {  	v9 =	vld [tilespmem:s22+$0xFFFFFFE0];
	v4 =	vshll.u32 v4, $0x4  }
0xbf: {  	v5 =	vshrl.u32 v7, $0x14;
	[tilespmem:v3+s2+$0x0] =	vst.idx.add.f32.msk $0xffff, v2;
	v4 =	vor.u32 v1, v4  }
0xc0: {  	[tilespmem:v3+s14+$0x0] =	vst.idx.add.f32.msk $0xffff, v8;
	v3 =	vmin.u32 v5, $0x43F  }
0xc1: {  	v8 =	vld [tilespmem:s22+$0x0];
	v5 =	vshll.u32 v3, $0x4  }
0xc2: {  	v11 =	vshrl.u32 v6, $0x14;
	v3 =	vld [tilespmem:s31+$0xFFFFFFD0];
	v12 =	vor.u32 v1, v5  }
0xc3: {  	v11 =	vmin.u32 v11, $0x43F;
	v5 =	vld [tilespmem:s31+$0xFFFFFFF0]  }
0xc4: {  	v13 =	vshrl.u32 v9, $0x14;
	v11 =	vshll.u32 v11, $0x4;
	[tilespmem:v4+s15+$0x0] =	vst.idx.add.f32.msk $0xffff, v2  }
0xc5: {  	[tilespmem:v4+s16+$0x0] =	vst.idx.add.f32.msk $0xffff, v10;
	v10 =	vmin.u32 v13, $0x43F;
	v13 =	vor.u32 v1, v11  }
0xc6: {  	v4 =	vld [tilespmem:s31+$0x10];
	v11 =	vshrl.u32 v8, $0x14;
	v10 =	vshll.u32 v10, $0x4  }
0xc7: {  	[tilespmem:v12+s2+$0x0] =	vst.idx.add.f32.msk $0xffff, v2;
	v11 =	vmin.u32 v11, $0x43F;
	v10 =	vor.u32 v1, v10  }
0xc8: {  	[tilespmem:v12+s14+$0x0] =	vst.idx.add.f32.msk $0xffff, v7;
	v11 =	vshll.u32 v11, $0x4  }
0xc9: {  	v7 =	vor.u32 v1, v11;
	v11 =	vld [tilespmem:s22+$0x30]  }
0xca: {  	[tilespmem:v13+s2+$0x0] =	vst.idx.add.f32.msk $0xffff, v2  }
0xcb: {  	v12 =	vshrl.u32 v3, $0x14;
	[tilespmem:v13+s14+$0x0] =	vst.idx.add.f32.msk $0xffff, v6  }
0xcc: {  	v6 =	vmin.u32 v12, $0x43F;
	[tilespmem:v10+s2+$0x0] =	vst.idx.add.f32.msk $0xffff, v2  }
0xcd: {  	v12 =	vshrl.u32 v5, $0x14;
	v6 =	vshll.u32 v6, $0x4;
	[tilespmem:v10+s14+$0x0] =	vst.idx.add.f32.msk $0xffff, v9  }
0xce: {  	v9 =	vmin.u32 v12, $0x43F;
	v10 =	vshrl.u32 v4, $0x14;
	[tilespmem:v7+s2+$0x0] =	vst.idx.add.f32.msk $0xffff, v2;
	v12 =	vshrl.u32 v11, $0x14  }
0xcf: {  	v9 =	vshll.u32 v9, $0x4;
	v10 =	vmin.u32 v10, $0x43F;
	[tilespmem:v7+s14+$0x0] =	vst.idx.add.f32.msk $0xffff, v8;
	v7 =	vmin.u32 v12, $0x43F  }
0xd0: {  	v8 =	vor.u32 v1, v6;
	v6 =	vshll.u32 v10, $0x4;
	v10 =	vld [tilespmem:s22+$0xFFFFFFD0];
	v12 =	vshll.u32 v7, $0x4  }
0xd1: {  	s23 =	simm.s32 $0x4;
	s24 =	simm.s32 $0x15140;
	v7 =	vor.u32 v1, v9;
	v9 =	vld [tilespmem:s22+$0xFFFFFFF0];
	v6 =	vor.u32 v1, v6;
	v12 =	vor.u32 v1, v12  }
.LBB2_7:
0xd2: {  	v13 =	vld [tilespmem:s24+$0x20]  }
0xd3: {  	v14 =	vld [tilespmem:s24+$0xFFFFFFE0]  }
0xd4: {  	s23 =	sadd.s32 $0x4, s23;
	v15 =	vld [tilespmem:s24+$0x0]  }
0xd5: {  	p1 =	slt.u32 s23, $0x1FC;
	v16 =	vld [tilespmem:s24+$0xFFFFFFC0];
	v17 =	vshrl.u32 v10, $0x14  }
0xd6: {  	v17 =	vmin.u32 v17, $0x43F;
	v18 =	vshrl.u32 v9, $0x14;
	[tilespmem:v12+s15+$0x0] =	vst.idx.add.f32.msk $0xffff, v2  }
0xd7: {  	v19 =	vshrl.u32 v13, $0x14;
	v17 =	vshll.u32 v17, $0x4;
	v18 =	vmin.u32 v18, $0x43F;
	[tilespmem:v12+s16+$0x0] =	vst.idx.add.f32.msk $0xffff, v11  }
0xd8: {  	v11 =	vshrl.u32 v14, $0x14;
	v12 =	vmin.u32 v19, $0x43F;
	v18 =	vshll.u32 v18, $0x4;
	v19 =	vld [tilespmem:s22+$0x10];
	s22 =	smov.u32 s24  }
0xd9: {  	v11 =	vmin.u32 v11, $0x43F;
	v20 =	vshrl.u32 v15, $0x14;
	v12 =	vshll.u32 v12, $0x4;
	[tilespmem:v8+s15+$0x0] =	vst.idx.add.f32.msk $0xffff, v2  }
0xda: {  	v21 =	vshrl.u32 v16, $0x14;
	v20 =	vmin.u32 v20, $0x43F;
	v12 =	vor.u32 v1, v12;
	[tilespmem:v8+s16+$0x0] =	vst.idx.add.f32.msk $0xffff, v3;
	v3 =	vmovc v10  }
0xdb: {  	v10 =	vshll.u32 v11, $0x4;
	v8 =	vmin.u32 v21, $0x43F;
	v11 =	vshll.u32 v20, $0x4;
	[tilespmem:v7+s15+$0x0] =	vst.idx.add.f32.msk $0xffff, v2  }
0xdc: {  	v10 =	vor.u32 v1, v10;
	v8 =	vshll.u32 v8, $0x4;
	v20 =	vor.u32 v1, v11;
	[tilespmem:v7+s16+$0x0] =	vst.idx.add.f32.msk $0xffff, v5  }
0xdd: {  	v21 =	vor.u32 v1, v8;
	v8 =	vor.u32 v1, v17;
	v17 =	vshrl.u32 v19, $0x14;
	[tilespmem:v6+s15+$0x0] =	vst.idx.add.f32.msk $0xffff, v2  }
0xde: {  	v7 =	vor.u32 v1, v18;
	v5 =	vmovc v9;
	v11 =	vmin.u32 v17, $0x43F;
	[tilespmem:v6+s16+$0x0] =	vst.idx.add.f32.msk $0xffff, v4;
	v4 =	vmov v19  }
0xdf: {  	[tilespmem:v12+s2+$0x0] =	vst.idx.add.f32.msk $0xffff, v2;
	v6 =	vshll.u32 v11, $0x4  }
0xe0: {  	[tilespmem:v12+s14+$0x0] =	vst.idx.add.f32.msk $0xffff, v13;
	v6 =	vor.u32 v1, v6  }
0xe1: {  	v11 =	vld [tilespmem:s24+$0x30]  }
0xe2: {  	[tilespmem:v21+s2+$0x0] =	vst.idx.add.f32.msk $0xffff, v2  }
0xe3: {  	[tilespmem:v21+s14+$0x0] =	vst.idx.add.f32.msk $0xffff, v16  }
0xe4: {  	[tilespmem:v10+s2+$0x0] =	vst.idx.add.f32.msk $0xffff, v2  }
.Ltmp2:
0xe5: {  	[tilespmem:v10+s14+$0x0] =	vst.idx.add.f32.msk $0xffff, v14;
	(pc) =	sbr.rel @p1 .LBB2_7-.Ltmp2, $4  }
0xe6: {  	[tilespmem:v20+s2+$0x0] =	vst.idx.add.f32.msk $0xffff, v2;
	v9 =	vshrl.u32 v11, $0x14  }
0xe7: {  	[tilespmem:v20+s14+$0x0] =	vst.idx.add.f32.msk $0xffff, v15;
	v9 =	vmin.u32 v9, $0x43F  }
0xe8: {  	v10 =	vld [tilespmem:s24+$0xFFFFFFD0];
	v12 =	vshll.u32 v9, $0x4  }
0xe9: {  	s24 =	sadd.s32 $0x80, s24;
	v9 =	vld [tilespmem:s22+$0xFFFFFFF0];
	v12 =	vor.u32 v1, v12  }
0xea: {  	_ =	sdelay $0x2  }
0xeb: {  	v13 =	vld [tilespmem:s22+$0x10]  }
0xec: {  	[tilespmem:v12+s15+$0x0] =	vst.idx.add.f32.msk $0xffff, v2;
	v14 =	vshrl.u32 v10, $0x14  }
0xed: {  	[tilespmem:v8+s15+$0x0] =	vst.idx.add.f32.msk $0xffff, v2;
	v14 =	vmin.u32 v14, $0x43F  }
0xee: {  	[tilespmem:v12+s16+$0x0] =	vst.idx.add.f32.msk $0xffff, v11;
	v57 =	vshrl.u32 v9, $0x14;
	v58 =	vshll.u32 v14, $0x4  }
0xef: {  	[tilespmem:v8+s16+$0x0] =	vst.idx.add.f32.msk $0xffff, v3;
	v11 =	vmin.u32 v57, $0x43F;
	v3 =	vor.u32 v1, v58  }
0xf0: {  	[tilespmem:v7+s15+$0x0] =	vst.idx.add.f32.msk $0xffff, v2;
	v60 =	vshrl.u32 v13, $0x14;
	v59 =	vshll.u32 v11, $0x4  }
0xf1: {  	[tilespmem:v6+s15+$0x0] =	vst.idx.add.f32.msk $0xffff, v2;
	v62 =	vmin.u32 v60, $0x43F;
	v61 =	vor.u32 v1, v59  }
0xf2: {  	[tilespmem:v7+s16+$0x0] =	vst.idx.add.f32.msk $0xffff, v5;
	v7 =	vshll.u32 v62, $0x4  }
0xf3: {  	[tilespmem:v6+s16+$0x0] =	vst.idx.add.f32.msk $0xffff, v4;
	v63 =	vor.u32 v1, v7  }
0xf4: {  	[tilespmem:v3+s15+$0x0] =	vst.idx.add.f32.msk $0xffff, v2  }
.Ltmp3:
0xf5: {  	[tilespmem:v3+s16+$0x0] =	vst.idx.add.f32.msk $0xffff, v10;
	(pc) =	sbr.rel @p0 .LBB2_9-.Ltmp3, $4  }
0xf6: {  	[tilespmem:v61+s15+$0x0] =	vst.idx.add.f32.msk $0xffff, v2  }
0xf7: {  	[tilespmem:v61+s16+$0x0] =	vst.idx.add.f32.msk $0xffff, v9  }
0xf8: {  	[tilespmem:v63+s15+$0x0] =	vst.idx.add.f32.msk $0xffff, v2  }
0xf9: {  	[tilespmem:v63+s16+$0x0] =	vst.idx.add.f32.msk $0xffff, v13  }
.Ltmp4:
0xfa: {  	(pc) =	sbr.rel .LBB2_4-.Ltmp4, $4  }
0xfb: {  	s21 =	sadd.s32 s21, s7  }
0xfc: {  	s21 =	sshrl.u32 s21, $0x3  }
0xfd: {  	s20 =	sadd.s32 $0x1, s20;
	s21 =	sadd.s32 s3, s21  }
0xfe: {  	[tilespmem:s12], [sflag:$0x2] =	stream.linear.gather [hbm4b:s21+s2], $0x4000, $0x38;
	[tilespmem:$0x19000] =	vst v63  }
.LBB2_9:
0xff: {  	s23 =	simm.s32 $0x40  }
0x100: {  	s21 =	simm.s32 $0x8840;
	v3 =	vld [tilespmem:s23+$0x30]  }
0x101: {  	v4 =	vld [tilespmem:s21+$0x30]  }
0x102: {  	v5 =	vld [tilespmem:s21+$0xFFFFFFC0]  }
0x103: {  	v6 =	vld [tilespmem:s23+$0xFFFFFFD0]  }
0x104: {  	v7 =	vld [tilespmem:s21+$0xFFFFFFD0]  }
0x105: {  	v8 =	vld [tilespmem:s23+$0xFFFFFFE0]  }
0x106: {  	v9 =	vld [tilespmem:s21+$0xFFFFFFE0]  }
0x107: {  	v10 =	vld [tilespmem:s21+$0xFFFFFFF0]  }
0x108: {  	v12 =	vld [tilespmem:s23+$0x0]  }
0x109: {  	v13 =	vld [tilespmem:s21+$0x0]  }
0x10a: {  	v14 =	vld [tilespmem:s23+$0x10]  }
0x10b: {  	v15 =	vld [tilespmem:s21+$0x10]  }
0x10c: {  	v16 =	vld [tilespmem:s21+$0x20];
	v3 =	vadd.f32 v4, v3  }
0x10d: {  	v4 =	vld [tilespmem:s23+$0xFFFFFFF0];
	v6 =	vadd.f32 v7, v6  }
0x10e: {  	v7 =	vld [tilespmem:s23+$0x20];
	[tilespmem:s23+$0x30] =	vst v3  }
0x10f: {  	s20 =	simm.s32 $0x4440;
	[tilespmem:s23+$0xFFFFFFD0] =	vst v6;
	v6 =	vadd.f32 v9, v8;
	v8 =	vld [tilespmem:s23+$0xFFFFFFC0]  }
0x110: {  	s22 =	simm.s32 $0xCC40;
	v3 =	vld [tilespmem:s20+$0x30]  }
0x111: {  	v11 =	vld [tilespmem:s22+$0x30]  }
0x112: {  	v9 =	vld [tilespmem:s20+$0xFFFFFFD0]  }
0x113: {  	[tilespmem:s23+$0xFFFFFFE0] =	vst v6;
	v6 =	vld [tilespmem:s22+$0xFFFFFFD0];
	v4 =	vadd.f32 v10, v4  }
0x114: {  	v10 =	vld [tilespmem:s20+$0xFFFFFFE0]  }
0x115: {  	v61 =	vld [tilespmem:s22+$0xFFFFFFE0];
	[tilespmem:s23+$0xFFFFFFF0] =	vst v4;
	v4 =	vadd.f32 v13, v12  }
0x116: {  	v5 =	vadd.f32 v5, v8;
	v8 =	vld [tilespmem:s20+$0xFFFFFFF0]  }
0x117: {  	v62 =	vld [tilespmem:s22+$0xFFFFFFF0];
	[tilespmem:s23+$0x0] =	vst v4  }
0x118: {  	v4 =	vadd.f32 v11, v3;
	[tilespmem:s23+$0xFFFFFFC0] =	vst v5;
	v3 =	vld [tilespmem:s20+$0x0]  }
0x119: {  	v5 =	vadd.f32 v15, v14;
	v11 =	vld [tilespmem:s20+$0xFFFFFFC0]  }
0x11a: {  	v63 =	vld [tilespmem:s22+$0xFFFFFFC0];
	[tilespmem:s20+$0x30] =	vst v4;
	v4 =	vadd.f32 v16, v7  }
0x11b: {  	[tilespmem:s23+$0x10] =	vst v5;
	v5 =	vadd.f32 v6, v9;
	v6 =	vld [tilespmem:s22+$0x0]  }
0x11c: {  	v9 =	vadd.f32 v61, v10;
	v7 =	vld [tilespmem:s22+$0x10];
	[tilespmem:s23+$0x20] =	vst v4  }
0x11d: {  	v4 =	vld [tilespmem:s20+$0x10];
	[tilespmem:s20+$0xFFFFFFD0] =	vst v5;
	v8 =	vadd.f32 v62, v8  }
0x11e: {  	[tilespmem:s20+$0xFFFFFFE0] =	vst v9;
	v5 =	vld [tilespmem:s20+$0x20]  }
0x11f: {  	s24 =	simm.s32 $0xC0;
	s23 =	simm.s32 $0x0;
	[tilespmem:s20+$0xFFFFFFF0] =	vst v8;
	v9 =	vadd.f32 v63, v11;
	v8 =	vld [tilespmem:s22+$0x20]  }
.LBB2_10:
0x120: {  	v10 =	vld [tilespmem:s24+$0x30];
	v3 =	vadd.f32 v6, v3;
	s21 =	sadd.s32 $0x80, s21  }
0x121: {  	v6 =	vld [tilespmem:s21+$0x30];
	[tilespmem:s20+$0xFFFFFFC0] =	vst v9  }
0x122: {  	s23 =	sadd.s32 $0x8, s23;
	v9 =	vld [tilespmem:s21+$0xFFFFFFC0];
	[tilespmem:s20+$0x0] =	vst v3;
	v3 =	vadd.f32 v7, v4  }
0x123: {  	p0 =	slt.u32 s23, $0x438;
	v4 =	vld [tilespmem:s24+$0xFFFFFFD0]  }
0x124: {  	v7 =	vld [tilespmem:s21+$0xFFFFFFD0];
	[tilespmem:s20+$0x10] =	vst v3;
	v3 =	vadd.f32 v8, v5  }
0x125: {  	v5 =	vld [tilespmem:s24+$0xFFFFFFE0]  }
0x126: {  	v8 =	vld [tilespmem:s21+$0xFFFFFFE0];
	v6 =	vadd.f32 v6, v10;
	[tilespmem:s20+$0x20] =	vst v3  }
0x127: {  	v3 =	vld [tilespmem:s24+$0xFFFFFFF0]  }
0x128: {  	s20 =	sadd.s32 $0x80, s20;
	v10 =	vld [tilespmem:s21+$0xFFFFFFF0];
	[tilespmem:s24+$0x30] =	vst v6  }
0x129: {  	s22 =	sadd.s32 $0x80, s22;
	v4 =	vadd.f32 v7, v4;
	v6 =	vld [tilespmem:s20+$0x30]  }
0x12a: {  	v7 =	vld [tilespmem:s22+$0x30]  }
0x12b: {  	[tilespmem:s24+$0xFFFFFFD0] =	vst v4;
	v4 =	vadd.f32 v8, v5;
	v5 =	vld [tilespmem:s24+$0x0]  }
0x12c: {  	v8 =	vld [tilespmem:s21+$0x0]  }
0x12d: {  	[tilespmem:s24+$0xFFFFFFE0] =	vst v4;
	v3 =	vadd.f32 v10, v3;
	v4 =	vld [tilespmem:s24+$0x10]  }
0x12e: {  	v10 =	vld [tilespmem:s21+$0x10]  }
0x12f: {  	[tilespmem:s24+$0xFFFFFFF0] =	vst v3;
	v3 =	vld [tilespmem:s24+$0x20];
	v6 =	vadd.f32 v7, v6  }
0x130: {  	v7 =	vld [tilespmem:s21+$0x20]  }
0x131: {  	v11 =	vld [tilespmem:s24+$0xFFFFFFC0];
	v5 =	vadd.f32 v8, v5;
	[tilespmem:s20+$0x30] =	vst v6  }
0x132: {  	v6 =	vld [tilespmem:s20+$0xFFFFFFD0]  }
0x133: {  	v8 =	vld [tilespmem:s22+$0xFFFFFFD0];
	[tilespmem:s24+$0x0] =	vst v5;
	v4 =	vadd.f32 v10, v4  }
0x134: {  	v5 =	vld [tilespmem:s20+$0xFFFFFFE0]  }
0x135: {  	v10 =	vld [tilespmem:s22+$0xFFFFFFE0];
	[tilespmem:s24+$0x10] =	vst v4;
	v3 =	vadd.f32 v7, v3  }
0x136: {  	v4 =	vadd.f32 v9, v11;
	v7 =	vld [tilespmem:s20+$0xFFFFFFF0]  }
0x137: {  	v9 =	vld [tilespmem:s22+$0xFFFFFFF0];
	[tilespmem:s24+$0x20] =	vst v3  }
0x138: {  	[tilespmem:s24+$0xFFFFFFC0] =	vst v4;
	v4 =	vadd.f32 v8, v6;
	v3 =	vld [tilespmem:s20+$0x0]  }
0x139: {  	v8 =	vld [tilespmem:s20+$0xFFFFFFC0]  }
0x13a: {  	v11 =	vld [tilespmem:s22+$0xFFFFFFC0];
	[tilespmem:s20+$0xFFFFFFD0] =	vst v4;
	v4 =	vadd.f32 v10, v5  }
.Ltmp5:
0x13b: {  	v6 =	vld [tilespmem:s22+$0x0];
	(pc) =	sbr.rel @p0 .LBB2_10-.Ltmp5, $4  }
0x13c: {  	[tilespmem:s20+$0xFFFFFFE0] =	vst v4;
	v5 =	vadd.f32 v9, v7;
	v4 =	vld [tilespmem:s20+$0x10]  }
0x13d: {  	v7 =	vld [tilespmem:s22+$0x10]  }
0x13e: {  	[tilespmem:s20+$0xFFFFFFF0] =	vst v5;
	v5 =	vld [tilespmem:s20+$0x20]  }
0x13f: {  	s24 =	sadd.s32 $0x80, s24;
	v9 =	vadd.f32 v11, v8;
	v8 =	vld [tilespmem:s22+$0x20]  }
0x140: {  	_ =	sdelay $0x1  }
0x141: {  	v3 =	vadd.f32 v6, v3  }
0x142: {  	[tilespmem:s20+$0xFFFFFFC0] =	vst v9;
	v4 =	vadd.f32 v7, v4  }
0x143: {  	[tilespmem:s20+$0x0] =	vst v3;
	v3 =	vadd.f32 v8, v5  }
0x144: {  	[tilespmem:s20+$0x10] =	vst v4  }
0x145: {  	[tilespmem:s20+$0x20] =	vst v3  }
0x146: {  	[hbm4b:s8+s2] =	stream.linear.scatter [tilespmem:s2], [sflag:$0x3], $0x4400, $0x38;
	[tilespmem:$0x19000] =	vst v63  }
0x147: {  	s19 =	sadd.s32 $0x1, s19;
	_ =	swait.ge [sflag:s18], $0x4400  }
0x148: {  	p0 =	sne.s32 s19, s10;
	[sflag:s18] =	ssyncset.done $0x0  }
.Ltmp6:
0x149: {  	[sflag:s18] =	ssyncadd.s32 $0xFFFFBC00;
	(pc) =	sbr.rel @p0 .LBB2_1-.Ltmp6, $4  }
0x14a: {  	[hbm4b:s9+s2] =	stream.linear.scatter [tilespmem:s14], [sflag:$0x3], $0x4400, $0x38;
	[tilespmem:$0x19000] =	vst v63  }
0x14b: {  	_ =	swait.ge [sflag:s18], $0x4400  }
0x14c: {  	[sflag:s18] =	ssyncset.done $0x0  }
0x14d: {  	[sflag:s18] =	ssyncadd.s32 $0xFFFFBC00  }
0x14e: {  	_ =	sfence.sel $0x180000  }
0x14f: {  	[bflag:$0x0] =	sbarrier.arrive $0xFFFF  }
0x150: {  	p0 =	sne.s32 s0, $0x0;
	_ =	strace $0x90000047  }
0x151: {  	s0 =	sadd.s32 @!p0 $0x100000, s1;
	[bflag:$0x2] =	sbarrier.arrive $0xFFFF  }
0x152: {  	[sflag:s0] =	ssyncadd.tile.s32 @!p0 $0x1;
	_ =	shalt  }
.Lfunc_end2:
_tile_overlayer_lowered:
.L_overlay_start_2:
0x153: {  	(tag) =	ssettag $0x2  }
0x154: {  	s0 =	rddreg [dreg:$0x0];
	s2 =	stileid.u32  }
0x155: {  	s1 =	rddreg [dreg:$0x1];
	p0 =	sne.s32 s2, $0x0  }
0x156: {  	s3 =	rddreg [dreg:$0x2];
	[bflag:$0x3] =	sbarrier.arrive $0xFFFF;
	s2 =	simm.s32 @!p0 $0x1C03  }
0x157: {  	[timem:s3], [sflag:s2] =	dma.local @!p0 [hbm:s0], s1  }
0x158: {  	s0 =	simm.s32 @!p0 $0x3  }
0x159: {  	_ =	swait.ge @!p0 [sflag:s0], s1  }
0x15a: {  	s1 =	ssub.s32 @!p0 $0x0, s1;
	[sflag:s0] =	ssyncset.done @!p0 $0x0  }
0x15b: {  	[sflag:s0] =	ssyncadd.s32 @!p0 s1  }
0x15c: {  	[bflag:$0x3] =	sbarrier.arrive $0xFFFF  }
0x15d: {  	_ =	shalt  }

</sc_bundles>
